<compile_context>
chip_gen: v7x
topology: tpu7x:2x2x1
jax: 0.10.2.dev20260603
libtpu: 0.0.44.dev20260713+nightly
codegen_flags: <defaults>
</compile_context>

<pallas_src>
import functools

import jax
import jax.numpy as jnp
from jax import lax
from jax.experimental import pallas as pl
from jax.experimental.pallas import tpu as pltpu
from jax.experimental.pallas import tpu_sc as plsc

_L = 16
_NEG = -1e30


def _softmax_into(tbl_ref, nvec, valid):
    lanes = lax.iota(jnp.int32, _L)
    v = []
    for i in range(nvec):
        x = tbl_ref[pl.ds(_L * i, _L)]
        nvalid = valid - _L * i
        if nvalid < _L:
            x = jnp.where(lanes < nvalid, x, _NEG)
        v.append(x)
    m = v[0]
    for x in v[1:]:
        m = jnp.maximum(m, x)
    mmax = jnp.max(m)
    e = [jnp.exp(x - mmax) for x in v]
    t = e[0]
    for x in e[1:]:
        t = t + x
    inv = 1.0 / jnp.broadcast_to(jnp.sum(t), (_L,))
    for i in range(nvec):
        tbl_ref[pl.ds(_L * i, _L)] = e[i] * inv


def _run(nn_t, ln_flat, lognp, loglp):
    rows, b = nn_t.shape
    l_tot = ln_flat.shape[0]
    n_tbl = lognp.shape[0]
    l_tbl = loglp.shape[0]
    info = plsc.get_sparse_core_info()
    nw = info.num_cores * info.num_subcores
    bpw = b // nw
    lpw = l_tot // nw
    mesh = plsc.VectorSubcoreMesh(core_axis_name="c", subcore_axis_name="s")

    @functools.partial(
        pl.kernel,
        mesh=mesh,
        out_type=[
            jax.ShapeDtypeStruct((rows, b), jnp.float32),
            jax.ShapeDtypeStruct((l_tot,), jnp.float32),
        ],
        scratch_types=[
            pltpu.VMEM((rows, bpw), jnp.int32),
            pltpu.VMEM((lpw,), jnp.int32),
            pltpu.VMEM((rows, bpw), jnp.float32),
            pltpu.VMEM((lpw,), jnp.float32),
            pltpu.VMEM((64,), jnp.float32),
            pltpu.VMEM((16,), jnp.float32),
            pltpu.SemaphoreType.DMA,
            pltpu.SemaphoreType.DMA,
            pltpu.SemaphoreType.DMA,
            pltpu.SemaphoreType.DMA,
        ],
        compiler_params=pltpu.CompilerParams(needs_layout_passes=False),
    )
    def sc_kernel(nn_hbm, ln_hbm, lognp_hbm, loglp_hbm, out_n_hbm, out_l_hbm,
                  nidx, lidx, nout, lout, ntbl, ltbl,
                  sem_n, sem_l, sem_t, sem_u):
        wid = lax.axis_index("s") * info.num_cores + lax.axis_index("c")
        base = wid * bpw
        cp_n = pltpu.async_copy(nn_hbm.at[:, pl.ds(base, bpw)], nidx, sem_n)
        cp_l = pltpu.async_copy(ln_hbm.at[pl.ds(base, lpw)], lidx, sem_l)
        cp_t = pltpu.async_copy(lognp_hbm, ntbl.at[pl.ds(0, n_tbl)], sem_t)
        cp_u = pltpu.async_copy(loglp_hbm, ltbl.at[pl.ds(0, l_tbl)], sem_u)
        cp_t.wait()
        cp_u.wait()
        _softmax_into(ntbl, 4, n_tbl)
        _softmax_into(ltbl, 1, l_tbl)
        cp_n.wait()

        def nbody(i, carry):
            off = pl.multiple_of(i * _L, _L)
            for r in range(rows):
                idx = nidx[r, pl.ds(off, _L)] - 1
                nout[r, pl.ds(off, _L)] = plsc.load_gather(ntbl, [idx])
            return carry

        lax.fori_loop(0, bpw // _L, nbody, 0, unroll=4)
        co_n = pltpu.async_copy(nout, out_n_hbm.at[:, pl.ds(base, bpw)], sem_t)
        cp_l.wait()

        def lbody(i, carry):
            off = pl.multiple_of(i * _L, _L)
            idx = lidx[pl.ds(off, _L)] - 1
            lout[pl.ds(off, _L)] = plsc.load_gather(ltbl, [idx])
            return carry

        lax.fori_loop(0, lpw // _L, lbody, 0, unroll=4)
        co_l = pltpu.async_copy(lout, out_l_hbm.at[pl.ds(base, lpw)], sem_u)
        co_n.wait()
        co_l.wait()

    return sc_kernel(nn_t, ln_flat, lognp, loglp)


def kernel(normal_numbers, lucky_number, log_normal_probs, log_lucky_probs):
    out_t, out_l = _run(normal_numbers.T, lucky_number.reshape(-1),
                        log_normal_probs, log_lucky_probs)
    return (out_t.T, out_l.reshape(lucky_number.shape))

# --- scband reference (transcript-rebuilt; emitter-appended) ---
"""Pipeline reference for scband-gather-probs-layer-23536420782270 (READ-ONLY COPY).

The authoritative reference and input builder live on the scoring server;
editing this copy changes nothing except your own understanding.
"""

import jax, jax.numpy as jnp
import numpy as np

B = 16384

def setup_inputs(seed: int = 0) -> dict:
    key = jax.random.key(seed)
    k1, k2, k3, k4 = jax.random.split(key, 4)
    # ball numbers are 1-indexed: normal in [1, 49], lucky in [1, 10]
    normal_numbers = jax.random.randint(k1, (B, 5), 1, 50, dtype=jnp.int32)
    lucky_number = jax.random.randint(k2, (B, 1), 1, 11, dtype=jnp.int32)
    log_normal_probs = jax.random.normal(k3, (49,), dtype=jnp.float32)
    log_lucky_probs = jax.random.normal(k4, (10,), dtype=jnp.float32)
    return {
        'normal_numbers': normal_numbers,
        'lucky_number': lucky_number,
        'log_normal_probs': log_normal_probs,
        'log_lucky_probs': log_lucky_probs,
    }

def reference(normal_numbers, lucky_number, log_normal_probs, log_lucky_probs):
    normal_probs = jax.nn.softmax(log_normal_probs)
    lucky_probs = jax.nn.softmax(log_lucky_probs)
    good_normal_probs = jnp.take(normal_probs, normal_numbers - 1, axis=0)
    good_lucky_prob = jnp.take(lucky_probs, lucky_number - 1, axis=0)
    return (good_normal_probs, good_lucky_prob)

if __name__ == "__main__":
    import jax
    _d = setup_inputs()
    print(jax.jit(kernel)(*tuple(_d.values())))

</pallas_src>

<mosaic_0001>
#map = affine_map<(d0, d1) -> (0, 0)>
#map1 = affine_map<(d0, d1) -> (0)>
module attributes {stable_mosaic.version = 14 : i64} {
  func.func @sc_kernel(%arg0: i32, %arg1: i32, %arg2: memref<5x16384xi32, #tpu.memory_space<hbm>>, %arg3: memref<16384xi32, #tpu.memory_space<hbm>>, %arg4: memref<49xf32, #tpu.memory_space<hbm>>, %arg5: memref<10xf32, #tpu.memory_space<hbm>>, %arg6: memref<5x16384xf32, #tpu.memory_space<hbm>>, %arg7: memref<16384xf32, #tpu.memory_space<hbm>>, %arg8: memref<5x512xi32, #tpu.memory_space<vmem>>, %arg9: memref<512xi32, #tpu.memory_space<vmem>>, %arg10: memref<5x512xf32, #tpu.memory_space<vmem>>, %arg11: memref<512xf32, #tpu.memory_space<vmem>>, %arg12: memref<64xf32, #tpu.memory_space<vmem>>, %arg13: memref<16xf32, #tpu.memory_space<vmem>>, %arg14: memref<!tpu.dma_semaphore, #tpu.memory_space<semaphore_mem>>, %arg15: memref<!tpu.dma_semaphore, #tpu.memory_space<semaphore_mem>>, %arg16: memref<!tpu.dma_semaphore, #tpu.memory_space<semaphore_mem>>, %arg17: memref<!tpu.dma_semaphore, #tpu.memory_space<semaphore_mem>>) attributes {dimension_semantics = [#tpu.dimension_semantics<core_parallel>, #tpu.dimension_semantics<subcore_parallel>], iteration_bounds = array<i64: 2, 16>, scalar_prefetch = 0 : i64, scratch_operands = 10 : i64, tpu.core_type = #tpu.core_type<sc_vector_subcore>, window_params = [{transform_indices = #map}, {transform_indices = #map1}, {transform_indices = #map1}, {transform_indices = #map1}, {transform_indices = #map}, {transform_indices = #map1}]} {
    %mul3A = arith.constant 2 : i32
    %mul3A_0 = arith.muli %arg1, %mul3A : i32
    %add3A = arith.addi %mul3A_0, %arg0 : i32
    %mul3A_1 = arith.constant 512 : i32
    %mul3A_2 = arith.muli %add3A, %mul3A_1 : i32
    %dma_start3A = arith.constant 0 : i32
    %dma_start3A_3 = tpu.memref_slice %arg2[%dma_start3A, %mul3A_2] : memref<5x16384xi32, #tpu.memory_space<hbm>> -> memref<5x512xi32, #tpu.memory_space<hbm>>
    %dma_start3A_4 = arith.constant 0 : i32
    %dma_start3A_5 = tpu.memref_slice %arg2[%dma_start3A_4, %mul3A_2] : memref<5x16384xi32, #tpu.memory_space<hbm>> -> memref<5x512xi32, #tpu.memory_space<hbm>>
    tpu.enqueue_dma source(%dma_start3A_5 : memref<5x512xi32, #tpu.memory_space<hbm>>) target(%arg8 : memref<5x512xi32, #tpu.memory_space<vmem>>) target_semaphore(%arg14 : memref<!tpu.dma_semaphore, #tpu.memory_space<semaphore_mem>>)
    %dma_start3A_6 = tpu.memref_slice %arg3[%mul3A_2] : memref<16384xi32, #tpu.memory_space<hbm>> -> memref<512xi32, #tpu.memory_space<hbm>>
    %dma_start3A_7 = tpu.memref_slice %arg3[%mul3A_2] : memref<16384xi32, #tpu.memory_space<hbm>> -> memref<512xi32, #tpu.memory_space<hbm>>
    tpu.enqueue_dma source(%dma_start3A_7 : memref<512xi32, #tpu.memory_space<hbm>>) target(%arg9 : memref<512xi32, #tpu.memory_space<vmem>>) target_semaphore(%arg15 : memref<!tpu.dma_semaphore, #tpu.memory_space<semaphore_mem>>)
    %dma_start3A_8 = arith.constant 0 : i32
    %dma_start3A_9 = tpu.memref_slice %arg12[%dma_start3A_8] : memref<64xf32, #tpu.memory_space<vmem>> -> memref<49xf32, #tpu.memory_space<vmem>>
    %dma_start3A_10 = arith.constant 0 : i32
    %dma_start3A_11 = tpu.memref_slice %arg12[%dma_start3A_10] : memref<64xf32, #tpu.memory_space<vmem>> -> memref<49xf32, #tpu.memory_space<vmem>>
    tpu.enqueue_dma source(%arg4 : memref<49xf32, #tpu.memory_space<hbm>>) target(%dma_start3A_11 : memref<49xf32, #tpu.memory_space<vmem>>) target_semaphore(%arg16 : memref<!tpu.dma_semaphore, #tpu.memory_space<semaphore_mem>>)
    %dma_start3A_12 = arith.constant 0 : i32
    %dma_start3A_13 = tpu.memref_slice %arg13[%dma_start3A_12] : memref<16xf32, #tpu.memory_space<vmem>> -> memref<10xf32, #tpu.memory_space<vmem>>
    %dma_start3A_14 = arith.constant 0 : i32
    %dma_start3A_15 = tpu.memref_slice %arg13[%dma_start3A_14] : memref<16xf32, #tpu.memory_space<vmem>> -> memref<10xf32, #tpu.memory_space<vmem>>
    tpu.enqueue_dma source(%arg5 : memref<10xf32, #tpu.memory_space<hbm>>) target(%dma_start3A_15 : memref<10xf32, #tpu.memory_space<vmem>>) target_semaphore(%arg17 : memref<!tpu.dma_semaphore, #tpu.memory_space<semaphore_mem>>)
    %dma_wait3A = arith.constant 0 : i32
    %dma_wait3A_16 = tpu.memref_slice %arg12[%dma_wait3A] : memref<64xf32, #tpu.memory_space<vmem>> -> memref<49xf32, #tpu.memory_space<vmem>>
    %dma_wait3A_17 = arith.constant 0 : i32
    %dma_wait3A_18 = tpu.memref_slice %arg12[%dma_wait3A_17] : memref<64xf32, #tpu.memory_space<vmem>> -> memref<49xf32, #tpu.memory_space<vmem>>
    tpu.wait_dma2 semaphore(%arg16 : memref<!tpu.dma_semaphore, #tpu.memory_space<semaphore_mem>>) src(%arg4 : memref<49xf32, #tpu.memory_space<hbm>>) dst(%dma_wait3A_18 : memref<49xf32, #tpu.memory_space<vmem>>)
    %dma_wait3A_19 = arith.constant 0 : i32
    %dma_wait3A_20 = tpu.memref_slice %arg13[%dma_wait3A_19] : memref<16xf32, #tpu.memory_space<vmem>> -> memref<10xf32, #tpu.memory_space<vmem>>
    %dma_wait3A_21 = arith.constant 0 : i32
    %dma_wait3A_22 = tpu.memref_slice %arg13[%dma_wait3A_21] : memref<16xf32, #tpu.memory_space<vmem>> -> memref<10xf32, #tpu.memory_space<vmem>>
    tpu.wait_dma2 semaphore(%arg17 : memref<!tpu.dma_semaphore, #tpu.memory_space<semaphore_mem>>) src(%arg5 : memref<10xf32, #tpu.memory_space<hbm>>) dst(%dma_wait3A_22 : memref<10xf32, #tpu.memory_space<vmem>>)
    %iota3A = tpu.iota {dimensions = array<i32: 0>} : vector<16xi32>
    %get3A = arith.constant 0 : index
    %get3A_23 = tpu.vector_load %arg12[%get3A] {strides = array<i32>} : memref<64xf32, #tpu.memory_space<vmem>>, vector<16xf32>,
    %get3A_24 = arith.constant 16 : index
    %get3A_25 = tpu.vector_load %arg12[%get3A_24] {strides = array<i32>} : memref<64xf32, #tpu.memory_space<vmem>>, vector<16xf32>,
    %get3A_26 = arith.constant 32 : index
    %get3A_27 = tpu.vector_load %arg12[%get3A_26] {strides = array<i32>} : memref<64xf32, #tpu.memory_space<vmem>>, vector<16xf32>,
    %get3A_28 = arith.constant 48 : index
    %get3A_29 = tpu.vector_load %arg12[%get3A_28] {strides = array<i32>} : memref<64xf32, #tpu.memory_space<vmem>>, vector<16xf32>,
    %lt3A = arith.constant 1 : i32
    %lt3A_30 = vector.broadcast %lt3A : i32 to vector<16xi32>
    %lt3A_31 = arith.cmpi slt, %iota3A, %lt3A_30 : vector<16xi32>
    %jit3A = arith.constant -1.000000e+30 : f32
    %broadcast_in_dim3A = vector.broadcast %jit3A : f32 to vector<16xf32>
    %select_n3A = arith.select %lt3A_31, %get3A_29, %broadcast_in_dim3A : vector<16xi1>, vector<16xf32>
    %max3A = arith.maximumf %get3A_23, %get3A_25 : vector<16xf32>
    %max3A_32 = arith.maximumf %max3A, %get3A_27 : vector<16xf32>
    %max3A_33 = arith.maximumf %max3A_32, %select_n3A : vector<16xf32>
    %reduce_max3A = arith.constant true
    %reduce_max3A_34 = vector.broadcast %reduce_max3A : i1 to vector<16xi1>
    %reduce_max3A_35 = tpu.scan <max>, %max3A_33 masked %reduce_max3A_34 : vector<16xf32>, vector<16xi1> -> vector<16xf32>
    %reduce_max3A_36 = vector.extract %reduce_max3A_35[15] : f32 from vector<16xf32>
    %sub3A = vector.broadcast %reduce_max3A_36 : f32 to vector<16xf32>
    %sub3A_37 = arith.subf %get3A_23, %sub3A : vector<16xf32>
    %exp3A = math.exp %sub3A_37 : vector<16xf32>
    %sub3A_38 = vector.broadcast %reduce_max3A_36 : f32 to vector<16xf32>
    %sub3A_39 = arith.subf %get3A_25, %sub3A_38 : vector<16xf32>
    %exp3A_40 = math.exp %sub3A_39 : vector<16xf32>
    %sub3A_41 = vector.broadcast %reduce_max3A_36 : f32 to vector<16xf32>
    %sub3A_42 = arith.subf %get3A_27, %sub3A_41 : vector<16xf32>
    %exp3A_43 = math.exp %sub3A_42 : vector<16xf32>
    %sub3A_44 = vector.broadcast %reduce_max3A_36 : f32 to vector<16xf32>
    %sub3A_45 = arith.subf %select_n3A, %sub3A_44 : vector<16xf32>
    %exp3A_46 = math.exp %sub3A_45 : vector<16xf32>
    %add3A_47 = arith.addf %exp3A, %exp3A_40 : vector<16xf32>
    %add3A_48 = arith.addf %add3A_47, %exp3A_43 : vector<16xf32>
    %add3A_49 = arith.addf %add3A_48, %exp3A_46 : vector<16xf32>
    %reduce_sum3A = arith.constant true
    %reduce_sum3A_50 = vector.broadcast %reduce_sum3A : i1 to vector<16xi1>
    %reduce_sum3A_51 = tpu.scan <sum>, %add3A_49 masked %reduce_sum3A_50 : vector<16xf32>, vector<16xi1> -> vector<16xf32>
    %reduce_sum3A_52 = vector.extract %reduce_sum3A_51[15] : f32 from vector<16xf32>
    %broadcast_in_dim3A_53 = vector.broadcast %reduce_sum3A_52 : f32 to vector<16xf32>
    %div3A = arith.constant 1.000000e+00 : f32
    %div3A_54 = vector.broadcast %div3A : f32 to vector<16xf32>
    %div3A_55 = arith.divf %div3A_54, %broadcast_in_dim3A_53 : vector<16xf32>
    %mul3A_56 = arith.mulf %exp3A, %div3A_55 : vector<16xf32>
    %swap3A = arith.constant 0 : index
    %swap3A_57 = tpu.vector_load %arg12[%swap3A] {strides = array<i32>} : memref<64xf32, #tpu.memory_space<vmem>>, vector<16xf32>,
    tpu.vector_store %arg12[%swap3A], %mul3A_56 {strides = array<i32>} : memref<64xf32, #tpu.memory_space<vmem>>, vector<16xf32>,
    %mul3A_58 = arith.mulf %exp3A_40, %div3A_55 : vector<16xf32>
    %swap3A_59 = arith.constant 16 : index
    %swap3A_60 = tpu.vector_load %arg12[%swap3A_59] {strides = array<i32>} : memref<64xf32, #tpu.memory_space<vmem>>, vector<16xf32>,
    tpu.vector_store %arg12[%swap3A_59], %mul3A_58 {strides = array<i32>} : memref<64xf32, #tpu.memory_space<vmem>>, vector<16xf32>,
    %mul3A_61 = arith.mulf %exp3A_43, %div3A_55 : vector<16xf32>
    %swap3A_62 = arith.constant 32 : index
    %swap3A_63 = tpu.vector_load %arg12[%swap3A_62] {strides = array<i32>} : memref<64xf32, #tpu.memory_space<vmem>>, vector<16xf32>,
    tpu.vector_store %arg12[%swap3A_62], %mul3A_61 {strides = array<i32>} : memref<64xf32, #tpu.memory_space<vmem>>, vector<16xf32>,
    %mul3A_64 = arith.mulf %exp3A_46, %div3A_55 : vector<16xf32>
    %swap3A_65 = arith.constant 48 : index
    %swap3A_66 = tpu.vector_load %arg12[%swap3A_65] {strides = array<i32>} : memref<64xf32, #tpu.memory_space<vmem>>, vector<16xf32>,
    tpu.vector_store %arg12[%swap3A_65], %mul3A_64 {strides = array<i32>} : memref<64xf32, #tpu.memory_space<vmem>>, vector<16xf32>,
    %iota3A_67 = tpu.iota {dimensions = array<i32: 0>} : vector<16xi32>
    %get3A_68 = arith.constant 0 : index
    %get3A_69 = tpu.vector_load %arg13[%get3A_68] {strides = array<i32>} : memref<16xf32, #tpu.memory_space<vmem>>, vector<16xf32>,
    %lt3A_70 = arith.constant 10 : i32
    %lt3A_71 = vector.broadcast %lt3A_70 : i32 to vector<16xi32>
    %lt3A_72 = arith.cmpi slt, %iota3A_67, %lt3A_71 : vector<16xi32>
    %jit3A_73 = arith.constant -1.000000e+30 : f32
    %broadcast_in_dim3A_74 = vector.broadcast %jit3A_73 : f32 to vector<16xf32>
    %select_n3A_75 = arith.select %lt3A_72, %get3A_69, %broadcast_in_dim3A_74 : vector<16xi1>, vector<16xf32>
    %reduce_max3A_76 = arith.constant true
    %reduce_max3A_77 = vector.broadcast %reduce_max3A_76 : i1 to vector<16xi1>
    %reduce_max3A_78 = tpu.scan <max>, %select_n3A_75 masked %reduce_max3A_77 : vector<16xf32>, vector<16xi1> -> vector<16xf32>
    %reduce_max3A_79 = vector.extract %reduce_max3A_78[15] : f32 from vector<16xf32>
    %sub3A_80 = vector.broadcast %reduce_max3A_79 : f32 to vector<16xf32>
    %sub3A_81 = arith.subf %select_n3A_75, %sub3A_80 : vector<16xf32>
    %exp3A_82 = math.exp %sub3A_81 : vector<16xf32>
    %reduce_sum3A_83 = arith.constant true
    %reduce_sum3A_84 = vector.broadcast %reduce_sum3A_83 : i1 to vector<16xi1>
    %reduce_sum3A_85 = tpu.scan <sum>, %exp3A_82 masked %reduce_sum3A_84 : vector<16xf32>, vector<16xi1> -> vector<16xf32>
    %reduce_sum3A_86 = vector.extract %reduce_sum3A_85[15] : f32 from vector<16xf32>
    %broadcast_in_dim3A_87 = vector.broadcast %reduce_sum3A_86 : f32 to vector<16xf32>
    %div3A_88 = arith.constant 1.000000e+00 : f32
    %div3A_89 = vector.broadcast %div3A_88 : f32 to vector<16xf32>
    %div3A_90 = arith.divf %div3A_89, %broadcast_in_dim3A_87 : vector<16xf32>
    %mul3A_91 = arith.mulf %exp3A_82, %div3A_90 : vector<16xf32>
    %swap3A_92 = arith.constant 0 : index
    %swap3A_93 = tpu.vector_load %arg13[%swap3A_92] {strides = array<i32>} : memref<16xf32, #tpu.memory_space<vmem>>, vector<16xf32>,
    tpu.vector_store %arg13[%swap3A_92], %mul3A_91 {strides = array<i32>} : memref<16xf32, #tpu.memory_space<vmem>>, vector<16xf32>,
    %dma_wait3A_94 = arith.constant 0 : i32
    %dma_wait3A_95 = tpu.memref_slice %arg2[%dma_wait3A_94, %mul3A_2] : memref<5x16384xi32, #tpu.memory_space<hbm>> -> memref<5x512xi32, #tpu.memory_space<hbm>>
    %dma_wait3A_96 = arith.constant 0 : i32
    %dma_wait3A_97 = tpu.memref_slice %arg2[%dma_wait3A_96, %mul3A_2] : memref<5x16384xi32, #tpu.memory_space<hbm>> -> memref<5x512xi32, #tpu.memory_space<hbm>>
    tpu.wait_dma2 semaphore(%arg14 : memref<!tpu.dma_semaphore, #tpu.memory_space<semaphore_mem>>) src(%dma_wait3A_97 : memref<5x512xi32, #tpu.memory_space<hbm>>) dst(%arg8 : memref<5x512xi32, #tpu.memory_space<vmem>>)
    %scan3A = arith.constant 0 : i32
    %scan3A_98 = arith.constant 0 : i32
    %scan3A_99 = arith.constant 32 : i32
    %scan3A_100 = arith.addi %scan3A_98, %scan3A_99 : i32
    %scan3A_101 = arith.constant 4 : i32
    scf.for %scan3A_123 = %scan3A_98 to %scan3A_100 step %scan3A_101  : i32 {
      %mul3A_124 = arith.constant 16 : i32
      %mul3A_125 = arith.muli %scan3A_123, %mul3A_124 : i32
      %multiple_of3A = tpu.assume_multiple %mul3A_125, 16 : i32
      %get3A_126 = arith.constant 0 : i32
      %get3A_127 = arith.index_cast %get3A_126 : i32 to index
      %get3A_128 = arith.index_cast %multiple_of3A : i32 to index
      %get3A_129 = tpu.vector_load %arg8[%get3A_127, %get3A_128] {strides = array<i32>} : memref<5x512xi32, #tpu.memory_space<vmem>>, vector<16xi32>,
      %sub3A_130 = arith.constant 1 : i32
      %sub3A_131 = vector.broadcast %sub3A_130 : i32 to vector<16xi32>
      %sub3A_132 = arith.subi %get3A_129, %sub3A_131 : vector<16xi32>
      %gather3A = tpu.vector_load_idx %arg12[%sub3A_132] : memref<64xf32, #tpu.memory_space<vmem>>[vector<16xi32>], vector<16xf32>,
      %swap3A_133 = arith.constant 0 : i32
      %swap3A_134 = arith.index_cast %swap3A_133 : i32 to index
      %swap3A_135 = arith.index_cast %multiple_of3A : i32 to index
      %swap3A_136 = tpu.vector_load %arg10[%swap3A_134, %swap3A_135] {strides = array<i32>} : memref<5x512xf32, #tpu.memory_space<vmem>>, vector<16xf32>,
      tpu.vector_store %arg10[%swap3A_134, %swap3A_135], %gather3A {strides = array<i32>} : memref<5x512xf32, #tpu.memory_space<vmem>>, vector<16xf32>,
      %get3A_137 = arith.constant 1 : i32
      %get3A_138 = arith.index_cast %get3A_137 : i32 to index
      %get3A_139 = arith.index_cast %multiple_of3A : i32 to index
      %get3A_140 = tpu.vector_load %arg8[%get3A_138, %get3A_139] {strides = array<i32>} : memref<5x512xi32, #tpu.memory_space<vmem>>, vector<16xi32>,
      %sub3A_141 = arith.constant 1 : i32
      %sub3A_142 = vector.broadcast %sub3A_141 : i32 to vector<16xi32>
      %sub3A_143 = arith.subi %get3A_140, %sub3A_142 : vector<16xi32>
      %gather3A_144 = tpu.vector_load_idx %arg12[%sub3A_143] : memref<64xf32, #tpu.memory_space<vmem>>[vector<16xi32>], vector<16xf32>,
      %swap3A_145 = arith.constant 1 : i32
      %swap3A_146 = arith.index_cast %swap3A_145 : i32 to index
      %swap3A_147 = arith.index_cast %multiple_of3A : i32 to index
      %swap3A_148 = tpu.vector_load %arg10[%swap3A_146, %swap3A_147] {strides = array<i32>} : memref<5x512xf32, #tpu.memory_space<vmem>>, vector<16xf32>,
      tpu.vector_store %arg10[%swap3A_146, %swap3A_147], %gather3A_144 {strides = array<i32>} : memref<5x512xf32, #tpu.memory_space<vmem>>, vector<16xf32>,
      %get3A_149 = arith.constant 2 : i32
      %get3A_150 = arith.index_cast %get3A_149 : i32 to index
      %get3A_151 = arith.index_cast %multiple_of3A : i32 to index
      %get3A_152 = tpu.vector_load %arg8[%get3A_150, %get3A_151] {strides = array<i32>} : memref<5x512xi32, #tpu.memory_space<vmem>>, vector<16xi32>,
      %sub3A_153 = arith.constant 1 : i32
      %sub3A_154 = vector.broadcast %sub3A_153 : i32 to vector<16xi32>
      %sub3A_155 = arith.subi %get3A_152, %sub3A_154 : vector<16xi32>
      %gather3A_156 = tpu.vector_load_idx %arg12[%sub3A_155] : memref<64xf32, #tpu.memory_space<vmem>>[vector<16xi32>], vector<16xf32>,
      %swap3A_157 = arith.constant 2 : i32
      %swap3A_158 = arith.index_cast %swap3A_157 : i32 to index
      %swap3A_159 = arith.index_cast %multiple_of3A : i32 to index
      %swap3A_160 = tpu.vector_load %arg10[%swap3A_158, %swap3A_159] {strides = array<i32>} : memref<5x512xf32, #tpu.memory_space<vmem>>, vector<16xf32>,
      tpu.vector_store %arg10[%swap3A_158, %swap3A_159], %gather3A_156 {strides = array<i32>} : memref<5x512xf32, #tpu.memory_space<vmem>>, vector<16xf32>,
      %get3A_161 = arith.constant 3 : i32
      %get3A_162 = arith.index_cast %get3A_161 : i32 to index
      %get3A_163 = arith.index_cast %multiple_of3A : i32 to index
      %get3A_164 = tpu.vector_load %arg8[%get3A_162, %get3A_163] {strides = array<i32>} : memref<5x512xi32, #tpu.memory_space<vmem>>, vector<16xi32>,
      %sub3A_165 = arith.constant 1 : i32
      %sub3A_166 = vector.broadcast %sub3A_165 : i32 to vector<16xi32>
      %sub3A_167 = arith.subi %get3A_164, %sub3A_166 : vector<16xi32>
      %gather3A_168 = tpu.vector_load_idx %arg12[%sub3A_167] : memref<64xf32, #tpu.memory_space<vmem>>[vector<16xi32>], vector<16xf32>,
      %swap3A_169 = arith.constant 3 : i32
      %swap3A_170 = arith.index_cast %swap3A_169 : i32 to index
      %swap3A_171 = arith.index_cast %multiple_of3A : i32 to index
      %swap3A_172 = tpu.vector_load %arg10[%swap3A_170, %swap3A_171] {strides = array<i32>} : memref<5x512xf32, #tpu.memory_space<vmem>>, vector<16xf32>,
      tpu.vector_store %arg10[%swap3A_170, %swap3A_171], %gather3A_168 {strides = array<i32>} : memref<5x512xf32, #tpu.memory_space<vmem>>, vector<16xf32>,
      %get3A_173 = arith.constant 4 : i32
      %get3A_174 = arith.index_cast %get3A_173 : i32 to index
      %get3A_175 = arith.index_cast %multiple_of3A : i32 to index
      %get3A_176 = tpu.vector_load %arg8[%get3A_174, %get3A_175] {strides = array<i32>} : memref<5x512xi32, #tpu.memory_space<vmem>>, vector<16xi32>,
      %sub3A_177 = arith.constant 1 : i32
      %sub3A_178 = vector.broadcast %sub3A_177 : i32 to vector<16xi32>
      %sub3A_179 = arith.subi %get3A_176, %sub3A_178 : vector<16xi32>
      %gather3A_180 = tpu.vector_load_idx %arg12[%sub3A_179] : memref<64xf32, #tpu.memory_space<vmem>>[vector<16xi32>], vector<16xf32>,
      %swap3A_181 = arith.constant 4 : i32
      %swap3A_182 = arith.index_cast %swap3A_181 : i32 to index
      %swap3A_183 = arith.index_cast %multiple_of3A : i32 to index
      %swap3A_184 = tpu.vector_load %arg10[%swap3A_182, %swap3A_183] {strides = array<i32>} : memref<5x512xf32, #tpu.memory_space<vmem>>, vector<16xf32>,
      tpu.vector_store %arg10[%swap3A_182, %swap3A_183], %gather3A_180 {strides = array<i32>} : memref<5x512xf32, #tpu.memory_space<vmem>>, vector<16xf32>,
      %scan3A_185 = arith.constant 1 : i32
      %scan3A_186 = arith.addi %scan3A_123, %scan3A_185 : i32
      %mul3A_187 = arith.constant 16 : i32
      %mul3A_188 = arith.muli %scan3A_186, %mul3A_187 : i32
      %multiple_of3A_189 = tpu.assume_multiple %mul3A_188, 16 : i32
      %get3A_190 = arith.constant 0 : i32
      %get3A_191 = arith.index_cast %get3A_190 : i32 to index
      %get3A_192 = arith.index_cast %multiple_of3A_189 : i32 to index
      %get3A_193 = tpu.vector_load %arg8[%get3A_191, %get3A_192] {strides = array<i32>} : memref<5x512xi32, #tpu.memory_space<vmem>>, vector<16xi32>,
      %sub3A_194 = arith.constant 1 : i32
      %sub3A_195 = vector.broadcast %sub3A_194 : i32 to vector<16xi32>
      %sub3A_196 = arith.subi %get3A_193, %sub3A_195 : vector<16xi32>
      %gather3A_197 = tpu.vector_load_idx %arg12[%sub3A_196] : memref<64xf32, #tpu.memory_space<vmem>>[vector<16xi32>], vector<16xf32>,
      %swap3A_198 = arith.constant 0 : i32
      %swap3A_199 = arith.index_cast %swap3A_198 : i32 to index
      %swap3A_200 = arith.index_cast %multiple_of3A_189 : i32 to index
      %swap3A_201 = tpu.vector_load %arg10[%swap3A_199, %swap3A_200] {strides = array<i32>} : memref<5x512xf32, #tpu.memory_space<vmem>>, vector<16xf32>,
      tpu.vector_store %arg10[%swap3A_199, %swap3A_200], %gather3A_197 {strides = array<i32>} : memref<5x512xf32, #tpu.memory_space<vmem>>, vector<16xf32>,
      %get3A_202 = arith.constant 1 : i32
      %get3A_203 = arith.index_cast %get3A_202 : i32 to index
      %get3A_204 = arith.index_cast %multiple_of3A_189 : i32 to index
      %get3A_205 = tpu.vector_load %arg8[%get3A_203, %get3A_204] {strides = array<i32>} : memref<5x512xi32, #tpu.memory_space<vmem>>, vector<16xi32>,
      %sub3A_206 = arith.constant 1 : i32
      %sub3A_207 = vector.broadcast %sub3A_206 : i32 to vector<16xi32>
      %sub3A_208 = arith.subi %get3A_205, %sub3A_207 : vector<16xi32>
      %gather3A_209 = tpu.vector_load_idx %arg12[%sub3A_208] : memref<64xf32, #tpu.memory_space<vmem>>[vector<16xi32>], vector<16xf32>,
      %swap3A_210 = arith.constant 1 : i32
      %swap3A_211 = arith.index_cast %swap3A_210 : i32 to index
      %swap3A_212 = arith.index_cast %multiple_of3A_189 : i32 to index
      %swap3A_213 = tpu.vector_load %arg10[%swap3A_211, %swap3A_212] {strides = array<i32>} : memref<5x512xf32, #tpu.memory_space<vmem>>, vector<16xf32>,
      tpu.vector_store %arg10[%swap3A_211, %swap3A_212], %gather3A_209 {strides = array<i32>} : memref<5x512xf32, #tpu.memory_space<vmem>>, vector<16xf32>,
      %get3A_214 = arith.constant 2 : i32
      %get3A_215 = arith.index_cast %get3A_214 : i32 to index
      %get3A_216 = arith.index_cast %multiple_of3A_189 : i32 to index
      %get3A_217 = tpu.vector_load %arg8[%get3A_215, %get3A_216] {strides = array<i32>} : memref<5x512xi32, #tpu.memory_space<vmem>>, vector<16xi32>,
      %sub3A_218 = arith.constant 1 : i32
      %sub3A_219 = vector.broadcast %sub3A_218 : i32 to vector<16xi32>
      %sub3A_220 = arith.subi %get3A_217, %sub3A_219 : vector<16xi32>
      %gather3A_221 = tpu.vector_load_idx %arg12[%sub3A_220] : memref<64xf32, #tpu.memory_space<vmem>>[vector<16xi32>], vector<16xf32>,
      %swap3A_222 = arith.constant 2 : i32
      %swap3A_223 = arith.index_cast %swap3A_222 : i32 to index
      %swap3A_224 = arith.index_cast %multiple_of3A_189 : i32 to index
      %swap3A_225 = tpu.vector_load %arg10[%swap3A_223, %swap3A_224] {strides = array<i32>} : memref<5x512xf32, #tpu.memory_space<vmem>>, vector<16xf32>,
      tpu.vector_store %arg10[%swap3A_223, %swap3A_224], %gather3A_221 {strides = array<i32>} : memref<5x512xf32, #tpu.memory_space<vmem>>, vector<16xf32>,
      %get3A_226 = arith.constant 3 : i32
      %get3A_227 = arith.index_cast %get3A_226 : i32 to index
      %get3A_228 = arith.index_cast %multiple_of3A_189 : i32 to index
      %get3A_229 = tpu.vector_load %arg8[%get3A_227, %get3A_228] {strides = array<i32>} : memref<5x512xi32, #tpu.memory_space<vmem>>, vector<16xi32>,
      %sub3A_230 = arith.constant 1 : i32
      %sub3A_231 = vector.broadcast %sub3A_230 : i32 to vector<16xi32>
      %sub3A_232 = arith.subi %get3A_229, %sub3A_231 : vector<16xi32>
      %gather3A_233 = tpu.vector_load_idx %arg12[%sub3A_232] : memref<64xf32, #tpu.memory_space<vmem>>[vector<16xi32>], vector<16xf32>,
      %swap3A_234 = arith.constant 3 : i32
      %swap3A_235 = arith.index_cast %swap3A_234 : i32 to index
      %swap3A_236 = arith.index_cast %multiple_of3A_189 : i32 to index
      %swap3A_237 = tpu.vector_load %arg10[%swap3A_235, %swap3A_236] {strides = array<i32>} : memref<5x512xf32, #tpu.memory_space<vmem>>, vector<16xf32>,
      tpu.vector_store %arg10[%swap3A_235, %swap3A_236], %gather3A_233 {strides = array<i32>} : memref<5x512xf32, #tpu.memory_space<vmem>>, vector<16xf32>,
      %get3A_238 = arith.constant 4 : i32
      %get3A_239 = arith.index_cast %get3A_238 : i32 to index
      %get3A_240 = arith.index_cast %multiple_of3A_189 : i32 to index
      %get3A_241 = tpu.vector_load %arg8[%get3A_239, %get3A_240] {strides = array<i32>} : memref<5x512xi32, #tpu.memory_space<vmem>>, vector<16xi32>,
      %sub3A_242 = arith.constant 1 : i32
      %sub3A_243 = vector.broadcast %sub3A_242 : i32 to vector<16xi32>
      %sub3A_244 = arith.subi %get3A_241, %sub3A_243 : vector<16xi32>
      %gather3A_245 = tpu.vector_load_idx %arg12[%sub3A_244] : memref<64xf32, #tpu.memory_space<vmem>>[vector<16xi32>], vector<16xf32>,
      %swap3A_246 = arith.constant 4 : i32
      %swap3A_247 = arith.index_cast %swap3A_246 : i32 to index
      %swap3A_248 = arith.index_cast %multiple_of3A_189 : i32 to index
      %swap3A_249 = tpu.vector_load %arg10[%swap3A_247, %swap3A_248] {strides = array<i32>} : memref<5x512xf32, #tpu.memory_space<vmem>>, vector<16xf32>,
      tpu.vector_store %arg10[%swap3A_247, %swap3A_248], %gather3A_245 {strides = array<i32>} : memref<5x512xf32, #tpu.memory_space<vmem>>, vector<16xf32>,
      %scan3A_250 = arith.constant 2 : i32
      %scan3A_251 = arith.addi %scan3A_123, %scan3A_250 : i32
      %mul3A_252 = arith.constant 16 : i32
      %mul3A_253 = arith.muli %scan3A_251, %mul3A_252 : i32
      %multiple_of3A_254 = tpu.assume_multiple %mul3A_253, 16 : i32
      %get3A_255 = arith.constant 0 : i32
      %get3A_256 = arith.index_cast %get3A_255 : i32 to index
      %get3A_257 = arith.index_cast %multiple_of3A_254 : i32 to index
      %get3A_258 = tpu.vector_load %arg8[%get3A_256, %get3A_257] {strides = array<i32>} : memref<5x512xi32, #tpu.memory_space<vmem>>, vector<16xi32>,
      %sub3A_259 = arith.constant 1 : i32
      %sub3A_260 = vector.broadcast %sub3A_259 : i32 to vector<16xi32>
      %sub3A_261 = arith.subi %get3A_258, %sub3A_260 : vector<16xi32>
      %gather3A_262 = tpu.vector_load_idx %arg12[%sub3A_261] : memref<64xf32, #tpu.memory_space<vmem>>[vector<16xi32>], vector<16xf32>,
      %swap3A_263 = arith.constant 0 : i32
      %swap3A_264 = arith.index_cast %swap3A_263 : i32 to index
      %swap3A_265 = arith.index_cast %multiple_of3A_254 : i32 to index
      %swap3A_266 = tpu.vector_load %arg10[%swap3A_264, %swap3A_265] {strides = array<i32>} : memref<5x512xf32, #tpu.memory_space<vmem>>, vector<16xf32>,
      tpu.vector_store %arg10[%swap3A_264, %swap3A_265], %gather3A_262 {strides = array<i32>} : memref<5x512xf32, #tpu.memory_space<vmem>>, vector<16xf32>,
      %get3A_267 = arith.constant 1 : i32
      %get3A_268 = arith.index_cast %get3A_267 : i32 to index
      %get3A_269 = arith.index_cast %multiple_of3A_254 : i32 to index
      %get3A_270 = tpu.vector_load %arg8[%get3A_268, %get3A_269] {strides = array<i32>} : memref<5x512xi32, #tpu.memory_space<vmem>>, vector<16xi32>,
      %sub3A_271 = arith.constant 1 : i32
      %sub3A_272 = vector.broadcast %sub3A_271 : i32 to vector<16xi32>
      %sub3A_273 = arith.subi %get3A_270, %sub3A_272 : vector<16xi32>
      %gather3A_274 = tpu.vector_load_idx %arg12[%sub3A_273] : memref<64xf32, #tpu.memory_space<vmem>>[vector<16xi32>], vector<16xf32>,
      %swap3A_275 = arith.constant 1 : i32
      %swap3A_276 = arith.index_cast %swap3A_275 : i32 to index
      %swap3A_277 = arith.index_cast %multiple_of3A_254 : i32 to index
      %swap3A_278 = tpu.vector_load %arg10[%swap3A_276, %swap3A_277] {strides = array<i32>} : memref<5x512xf32, #tpu.memory_space<vmem>>, vector<16xf32>,
      tpu.vector_store %arg10[%swap3A_276, %swap3A_277], %gather3A_274 {strides = array<i32>} : memref<5x512xf32, #tpu.memory_space<vmem>>, vector<16xf32>,
      %get3A_279 = arith.constant 2 : i32
      %get3A_280 = arith.index_cast %get3A_279 : i32 to index
      %get3A_281 = arith.index_cast %multiple_of3A_254 : i32 to index
      %get3A_282 = tpu.vector_load %arg8[%get3A_280, %get3A_281] {strides = array<i32>} : memref<5x512xi32, #tpu.memory_space<vmem>>, vector<16xi32>,
      %sub3A_283 = arith.constant 1 : i32
      %sub3A_284 = vector.broadcast %sub3A_283 : i32 to vector<16xi32>
      %sub3A_285 = arith.subi %get3A_282, %sub3A_284 : vector<16xi32>
      %gather3A_286 = tpu.vector_load_idx %arg12[%sub3A_285] : memref<64xf32, #tpu.memory_space<vmem>>[vector<16xi32>], vector<16xf32>,
      %swap3A_287 = arith.constant 2 : i32
      %swap3A_288 = arith.index_cast %swap3A_287 : i32 to index
      %swap3A_289 = arith.index_cast %multiple_of3A_254 : i32 to index
      %swap3A_290 = tpu.vector_load %arg10[%swap3A_288, %swap3A_289] {strides = array<i32>} : memref<5x512xf32, #tpu.memory_space<vmem>>, vector<16xf32>,
      tpu.vector_store %arg10[%swap3A_288, %swap3A_289], %gather3A_286 {strides = array<i32>} : memref<5x512xf32, #tpu.memory_space<vmem>>, vector<16xf32>,
      %get3A_291 = arith.constant 3 : i32
      %get3A_292 = arith.index_cast %get3A_291 : i32 to index
      %get3A_293 = arith.index_cast %multiple_of3A_254 : i32 to index
      %get3A_294 = tpu.vector_load %arg8[%get3A_292, %get3A_293] {strides = array<i32>} : memref<5x512xi32, #tpu.memory_space<vmem>>, vector<16xi32>,
      %sub3A_295 = arith.constant 1 : i32
      %sub3A_296 = vector.broadcast %sub3A_295 : i32 to vector<16xi32>
      %sub3A_297 = arith.subi %get3A_294, %sub3A_296 : vector<16xi32>
      %gather3A_298 = tpu.vector_load_idx %arg12[%sub3A_297] : memref<64xf32, #tpu.memory_space<vmem>>[vector<16xi32>], vector<16xf32>,
      %swap3A_299 = arith.constant 3 : i32
      %swap3A_300 = arith.index_cast %swap3A_299 : i32 to index
      %swap3A_301 = arith.index_cast %multiple_of3A_254 : i32 to index
      %swap3A_302 = tpu.vector_load %arg10[%swap3A_300, %swap3A_301] {strides = array<i32>} : memref<5x512xf32, #tpu.memory_space<vmem>>, vector<16xf32>,
      tpu.vector_store %arg10[%swap3A_300, %swap3A_301], %gather3A_298 {strides = array<i32>} : memref<5x512xf32, #tpu.memory_space<vmem>>, vector<16xf32>,
      %get3A_303 = arith.constant 4 : i32
      %get3A_304 = arith.index_cast %get3A_303 : i32 to index
      %get3A_305 = arith.index_cast %multiple_of3A_254 : i32 to index
      %get3A_306 = tpu.vector_load %arg8[%get3A_304, %get3A_305] {strides = array<i32>} : memref<5x512xi32, #tpu.memory_space<vmem>>, vector<16xi32>,
      %sub3A_307 = arith.constant 1 : i32
      %sub3A_308 = vector.broadcast %sub3A_307 : i32 to vector<16xi32>
      %sub3A_309 = arith.subi %get3A_306, %sub3A_308 : vector<16xi32>
      %gather3A_310 = tpu.vector_load_idx %arg12[%sub3A_309] : memref<64xf32, #tpu.memory_space<vmem>>[vector<16xi32>], vector<16xf32>,
      %swap3A_311 = arith.constant 4 : i32
      %swap3A_312 = arith.index_cast %swap3A_311 : i32 to index
      %swap3A_313 = arith.index_cast %multiple_of3A_254 : i32 to index
      %swap3A_314 = tpu.vector_load %arg10[%swap3A_312, %swap3A_313] {strides = array<i32>} : memref<5x512xf32, #tpu.memory_space<vmem>>, vector<16xf32>,
      tpu.vector_store %arg10[%swap3A_312, %swap3A_313], %gather3A_310 {strides = array<i32>} : memref<5x512xf32, #tpu.memory_space<vmem>>, vector<16xf32>,
      %scan3A_315 = arith.constant 3 : i32
      %scan3A_316 = arith.addi %scan3A_123, %scan3A_315 : i32
      %mul3A_317 = arith.constant 16 : i32
      %mul3A_318 = arith.muli %scan3A_316, %mul3A_317 : i32
      %multiple_of3A_319 = tpu.assume_multiple %mul3A_318, 16 : i32
      %get3A_320 = arith.constant 0 : i32
      %get3A_321 = arith.index_cast %get3A_320 : i32 to index
      %get3A_322 = arith.index_cast %multiple_of3A_319 : i32 to index
      %get3A_323 = tpu.vector_load %arg8[%get3A_321, %get3A_322] {strides = array<i32>} : memref<5x512xi32, #tpu.memory_space<vmem>>, vector<16xi32>,
      %sub3A_324 = arith.constant 1 : i32
      %sub3A_325 = vector.broadcast %sub3A_324 : i32 to vector<16xi32>
      %sub3A_326 = arith.subi %get3A_323, %sub3A_325 : vector<16xi32>
      %gather3A_327 = tpu.vector_load_idx %arg12[%sub3A_326] : memref<64xf32, #tpu.memory_space<vmem>>[vector<16xi32>], vector<16xf32>,
      %swap3A_328 = arith.constant 0 : i32
      %swap3A_329 = arith.index_cast %swap3A_328 : i32 to index
      %swap3A_330 = arith.index_cast %multiple_of3A_319 : i32 to index
      %swap3A_331 = tpu.vector_load %arg10[%swap3A_329, %swap3A_330] {strides = array<i32>} : memref<5x512xf32, #tpu.memory_space<vmem>>, vector<16xf32>,
      tpu.vector_store %arg10[%swap3A_329, %swap3A_330], %gather3A_327 {strides = array<i32>} : memref<5x512xf32, #tpu.memory_space<vmem>>, vector<16xf32>,
      %get3A_332 = arith.constant 1 : i32
      %get3A_333 = arith.index_cast %get3A_332 : i32 to index
      %get3A_334 = arith.index_cast %multiple_of3A_319 : i32 to index
      %get3A_335 = tpu.vector_load %arg8[%get3A_333, %get3A_334] {strides = array<i32>} : memref<5x512xi32, #tpu.memory_space<vmem>>, vector<16xi32>,
      %sub3A_336 = arith.constant 1 : i32
      %sub3A_337 = vector.broadcast %sub3A_336 : i32 to vector<16xi32>
      %sub3A_338 = arith.subi %get3A_335, %sub3A_337 : vector<16xi32>
      %gather3A_339 = tpu.vector_load_idx %arg12[%sub3A_338] : memref<64xf32, #tpu.memory_space<vmem>>[vector<16xi32>], vector<16xf32>,
      %swap3A_340 = arith.constant 1 : i32
      %swap3A_341 = arith.index_cast %swap3A_340 : i32 to index
      %swap3A_342 = arith.index_cast %multiple_of3A_319 : i32 to index
      %swap3A_343 = tpu.vector_load %arg10[%swap3A_341, %swap3A_342] {strides = array<i32>} : memref<5x512xf32, #tpu.memory_space<vmem>>, vector<16xf32>,
      tpu.vector_store %arg10[%swap3A_341, %swap3A_342], %gather3A_339 {strides = array<i32>} : memref<5x512xf32, #tpu.memory_space<vmem>>, vector<16xf32>,
      %get3A_344 = arith.constant 2 : i32
      %get3A_345 = arith.index_cast %get3A_344 : i32 to index
      %get3A_346 = arith.index_cast %multiple_of3A_319 : i32 to index
      %get3A_347 = tpu.vector_load %arg8[%get3A_345, %get3A_346] {strides = array<i32>} : memref<5x512xi32, #tpu.memory_space<vmem>>, vector<16xi32>,
      %sub3A_348 = arith.constant 1 : i32
      %sub3A_349 = vector.broadcast %sub3A_348 : i32 to vector<16xi32>
      %sub3A_350 = arith.subi %get3A_347, %sub3A_349 : vector<16xi32>
      %gather3A_351 = tpu.vector_load_idx %arg12[%sub3A_350] : memref<64xf32, #tpu.memory_space<vmem>>[vector<16xi32>], vector<16xf32>,
      %swap3A_352 = arith.constant 2 : i32
      %swap3A_353 = arith.index_cast %swap3A_352 : i32 to index
      %swap3A_354 = arith.index_cast %multiple_of3A_319 : i32 to index
      %swap3A_355 = tpu.vector_load %arg10[%swap3A_353, %swap3A_354] {strides = array<i32>} : memref<5x512xf32, #tpu.memory_space<vmem>>, vector<16xf32>,
      tpu.vector_store %arg10[%swap3A_353, %swap3A_354], %gather3A_351 {strides = array<i32>} : memref<5x512xf32, #tpu.memory_space<vmem>>, vector<16xf32>,
      %get3A_356 = arith.constant 3 : i32
      %get3A_357 = arith.index_cast %get3A_356 : i32 to index
      %get3A_358 = arith.index_cast %multiple_of3A_319 : i32 to index
      %get3A_359 = tpu.vector_load %arg8[%get3A_357, %get3A_358] {strides = array<i32>} : memref<5x512xi32, #tpu.memory_space<vmem>>, vector<16xi32>,
      %sub3A_360 = arith.constant 1 : i32
      %sub3A_361 = vector.broadcast %sub3A_360 : i32 to vector<16xi32>
      %sub3A_362 = arith.subi %get3A_359, %sub3A_361 : vector<16xi32>
      %gather3A_363 = tpu.vector_load_idx %arg12[%sub3A_362] : memref<64xf32, #tpu.memory_space<vmem>>[vector<16xi32>], vector<16xf32>,
      %swap3A_364 = arith.constant 3 : i32
      %swap3A_365 = arith.index_cast %swap3A_364 : i32 to index
      %swap3A_366 = arith.index_cast %multiple_of3A_319 : i32 to index
      %swap3A_367 = tpu.vector_load %arg10[%swap3A_365, %swap3A_366] {strides = array<i32>} : memref<5x512xf32, #tpu.memory_space<vmem>>, vector<16xf32>,
      tpu.vector_store %arg10[%swap3A_365, %swap3A_366], %gather3A_363 {strides = array<i32>} : memref<5x512xf32, #tpu.memory_space<vmem>>, vector<16xf32>,
      %get3A_368 = arith.constant 4 : i32
      %get3A_369 = arith.index_cast %get3A_368 : i32 to index
      %get3A_370 = arith.index_cast %multiple_of3A_319 : i32 to index
      %get3A_371 = tpu.vector_load %arg8[%get3A_369, %get3A_370] {strides = array<i32>} : memref<5x512xi32, #tpu.memory_space<vmem>>, vector<16xi32>,
      %sub3A_372 = arith.constant 1 : i32
      %sub3A_373 = vector.broadcast %sub3A_372 : i32 to vector<16xi32>
      %sub3A_374 = arith.subi %get3A_371, %sub3A_373 : vector<16xi32>
      %gather3A_375 = tpu.vector_load_idx %arg12[%sub3A_374] : memref<64xf32, #tpu.memory_space<vmem>>[vector<16xi32>], vector<16xf32>,
      %swap3A_376 = arith.constant 4 : i32
      %swap3A_377 = arith.index_cast %swap3A_376 : i32 to index
      %swap3A_378 = arith.index_cast %multiple_of3A_319 : i32 to index
      %swap3A_379 = tpu.vector_load %arg10[%swap3A_377, %swap3A_378] {strides = array<i32>} : memref<5x512xf32, #tpu.memory_space<vmem>>, vector<16xf32>,
      tpu.vector_store %arg10[%swap3A_377, %swap3A_378], %gather3A_375 {strides = array<i32>} : memref<5x512xf32, #tpu.memory_space<vmem>>, vector<16xf32>,
    }
    %scan3A_102 = arith.constant 32 : i32
    %dma_start3A_103 = arith.constant 0 : i32
    %dma_start3A_104 = tpu.memref_slice %arg6[%dma_start3A_103, %mul3A_2] : memref<5x16384xf32, #tpu.memory_space<hbm>> -> memref<5x512xf32, #tpu.memory_space<hbm>>
    %dma_start3A_105 = arith.constant 0 : i32
    %dma_start3A_106 = tpu.memref_slice %arg6[%dma_start3A_105, %mul3A_2] : memref<5x16384xf32, #tpu.memory_space<hbm>> -> memref<5x512xf32, #tpu.memory_space<hbm>>
    tpu.enqueue_dma source(%arg10 : memref<5x512xf32, #tpu.memory_space<vmem>>) target(%dma_start3A_106 : memref<5x512xf32, #tpu.memory_space<hbm>>) target_semaphore(%arg16 : memref<!tpu.dma_semaphore, #tpu.memory_space<semaphore_mem>>)
    %dma_wait3A_107 = tpu.memref_slice %arg3[%mul3A_2] : memref<16384xi32, #tpu.memory_space<hbm>> -> memref<512xi32, #tpu.memory_space<hbm>>
    %dma_wait3A_108 = tpu.memref_slice %arg3[%mul3A_2] : memref<16384xi32, #tpu.memory_space<hbm>> -> memref<512xi32, #tpu.memory_space<hbm>>
    tpu.wait_dma2 semaphore(%arg15 : memref<!tpu.dma_semaphore, #tpu.memory_space<semaphore_mem>>) src(%dma_wait3A_108 : memref<512xi32, #tpu.memory_space<hbm>>) dst(%arg9 : memref<512xi32, #tpu.memory_space<vmem>>)
    %scan3A_109 = arith.constant 0 : i32
    %scan3A_110 = arith.constant 0 : i32
    %scan3A_111 = arith.constant 32 : i32
    %scan3A_112 = arith.addi %scan3A_110, %scan3A_111 : i32
    %scan3A_113 = arith.constant 4 : i32
    scf.for %scan3A_123 = %scan3A_110 to %scan3A_112 step %scan3A_113  : i32 {
      %mul3A_124 = arith.constant 16 : i32
      %mul3A_125 = arith.muli %scan3A_123, %mul3A_124 : i32
      %multiple_of3A = tpu.assume_multiple %mul3A_125, 16 : i32
      %get3A_126 = arith.index_cast %multiple_of3A : i32 to index
      %get3A_127 = tpu.vector_load %arg9[%get3A_126] {strides = array<i32>} : memref<512xi32, #tpu.memory_space<vmem>>, vector<16xi32>,
      %sub3A_128 = arith.constant 1 : i32
      %sub3A_129 = vector.broadcast %sub3A_128 : i32 to vector<16xi32>
      %sub3A_130 = arith.subi %get3A_127, %sub3A_129 : vector<16xi32>
      %gather3A = tpu.vector_load_idx %arg13[%sub3A_130] : memref<16xf32, #tpu.memory_space<vmem>>[vector<16xi32>], vector<16xf32>,
      %swap3A_131 = arith.index_cast %multiple_of3A : i32 to index
      %swap3A_132 = tpu.vector_load %arg11[%swap3A_131] {strides = array<i32>} : memref<512xf32, #tpu.memory_space<vmem>>, vector<16xf32>,
      tpu.vector_store %arg11[%swap3A_131], %gather3A {strides = array<i32>} : memref<512xf32, #tpu.memory_space<vmem>>, vector<16xf32>,
      %scan3A_133 = arith.constant 1 : i32
      %scan3A_134 = arith.addi %scan3A_123, %scan3A_133 : i32
      %mul3A_135 = arith.constant 16 : i32
      %mul3A_136 = arith.muli %scan3A_134, %mul3A_135 : i32
      %multiple_of3A_137 = tpu.assume_multiple %mul3A_136, 16 : i32
      %get3A_138 = arith.index_cast %multiple_of3A_137 : i32 to index
      %get3A_139 = tpu.vector_load %arg9[%get3A_138] {strides = array<i32>} : memref<512xi32, #tpu.memory_space<vmem>>, vector<16xi32>,
      %sub3A_140 = arith.constant 1 : i32
      %sub3A_141 = vector.broadcast %sub3A_140 : i32 to vector<16xi32>
      %sub3A_142 = arith.subi %get3A_139, %sub3A_141 : vector<16xi32>
      %gather3A_143 = tpu.vector_load_idx %arg13[%sub3A_142] : memref<16xf32, #tpu.memory_space<vmem>>[vector<16xi32>], vector<16xf32>,
      %swap3A_144 = arith.index_cast %multiple_of3A_137 : i32 to index
      %swap3A_145 = tpu.vector_load %arg11[%swap3A_144] {strides = array<i32>} : memref<512xf32, #tpu.memory_space<vmem>>, vector<16xf32>,
      tpu.vector_store %arg11[%swap3A_144], %gather3A_143 {strides = array<i32>} : memref<512xf32, #tpu.memory_space<vmem>>, vector<16xf32>,
      %scan3A_146 = arith.constant 2 : i32
      %scan3A_147 = arith.addi %scan3A_123, %scan3A_146 : i32
      %mul3A_148 = arith.constant 16 : i32
      %mul3A_149 = arith.muli %scan3A_147, %mul3A_148 : i32
      %multiple_of3A_150 = tpu.assume_multiple %mul3A_149, 16 : i32
      %get3A_151 = arith.index_cast %multiple_of3A_150 : i32 to index
      %get3A_152 = tpu.vector_load %arg9[%get3A_151] {strides = array<i32>} : memref<512xi32, #tpu.memory_space<vmem>>, vector<16xi32>,
      %sub3A_153 = arith.constant 1 : i32
      %sub3A_154 = vector.broadcast %sub3A_153 : i32 to vector<16xi32>
      %sub3A_155 = arith.subi %get3A_152, %sub3A_154 : vector<16xi32>
      %gather3A_156 = tpu.vector_load_idx %arg13[%sub3A_155] : memref<16xf32, #tpu.memory_space<vmem>>[vector<16xi32>], vector<16xf32>,
      %swap3A_157 = arith.index_cast %multiple_of3A_150 : i32 to index
      %swap3A_158 = tpu.vector_load %arg11[%swap3A_157] {strides = array<i32>} : memref<512xf32, #tpu.memory_space<vmem>>, vector<16xf32>,
      tpu.vector_store %arg11[%swap3A_157], %gather3A_156 {strides = array<i32>} : memref<512xf32, #tpu.memory_space<vmem>>, vector<16xf32>,
      %scan3A_159 = arith.constant 3 : i32
      %scan3A_160 = arith.addi %scan3A_123, %scan3A_159 : i32
      %mul3A_161 = arith.constant 16 : i32
      %mul3A_162 = arith.muli %scan3A_160, %mul3A_161 : i32
      %multiple_of3A_163 = tpu.assume_multiple %mul3A_162, 16 : i32
      %get3A_164 = arith.index_cast %multiple_of3A_163 : i32 to index
      %get3A_165 = tpu.vector_load %arg9[%get3A_164] {strides = array<i32>} : memref<512xi32, #tpu.memory_space<vmem>>, vector<16xi32>,
      %sub3A_166 = arith.constant 1 : i32
      %sub3A_167 = vector.broadcast %sub3A_166 : i32 to vector<16xi32>
      %sub3A_168 = arith.subi %get3A_165, %sub3A_167 : vector<16xi32>
      %gather3A_169 = tpu.vector_load_idx %arg13[%sub3A_168] : memref<16xf32, #tpu.memory_space<vmem>>[vector<16xi32>], vector<16xf32>,
      %swap3A_170 = arith.index_cast %multiple_of3A_163 : i32 to index
      %swap3A_171 = tpu.vector_load %arg11[%swap3A_170] {strides = array<i32>} : memref<512xf32, #tpu.memory_space<vmem>>, vector<16xf32>,
      tpu.vector_store %arg11[%swap3A_170], %gather3A_169 {strides = array<i32>} : memref<512xf32, #tpu.memory_space<vmem>>, vector<16xf32>,
    }
    %scan3A_114 = arith.constant 32 : i32
    %dma_start3A_115 = tpu.memref_slice %arg7[%mul3A_2] : memref<16384xf32, #tpu.memory_space<hbm>> -> memref<512xf32, #tpu.memory_space<hbm>>
    %dma_start3A_116 = tpu.memref_slice %arg7[%mul3A_2] : memref<16384xf32, #tpu.memory_space<hbm>> -> memref<512xf32, #tpu.memory_space<hbm>>
    tpu.enqueue_dma source(%arg11 : memref<512xf32, #tpu.memory_space<vmem>>) target(%dma_start3A_116 : memref<512xf32, #tpu.memory_space<hbm>>) target_semaphore(%arg17 : memref<!tpu.dma_semaphore, #tpu.memory_space<semaphore_mem>>)
    %dma_wait3A_117 = arith.constant 0 : i32
    %dma_wait3A_118 = tpu.memref_slice %arg6[%dma_wait3A_117, %mul3A_2] : memref<5x16384xf32, #tpu.memory_space<hbm>> -> memref<5x512xf32, #tpu.memory_space<hbm>>
    %dma_wait3A_119 = arith.constant 0 : i32
    %dma_wait3A_120 = tpu.memref_slice %arg6[%dma_wait3A_119, %mul3A_2] : memref<5x16384xf32, #tpu.memory_space<hbm>> -> memref<5x512xf32, #tpu.memory_space<hbm>>
    tpu.wait_dma2 semaphore(%arg16 : memref<!tpu.dma_semaphore, #tpu.memory_space<semaphore_mem>>) src(%arg10 : memref<5x512xf32, #tpu.memory_space<vmem>>) dst(%dma_wait3A_120 : memref<5x512xf32, #tpu.memory_space<hbm>>)
    %dma_wait3A_121 = tpu.memref_slice %arg7[%mul3A_2] : memref<16384xf32, #tpu.memory_space<hbm>> -> memref<512xf32, #tpu.memory_space<hbm>>
    %dma_wait3A_122 = tpu.memref_slice %arg7[%mul3A_2] : memref<16384xf32, #tpu.memory_space<hbm>> -> memref<512xf32, #tpu.memory_space<hbm>>
    tpu.wait_dma2 semaphore(%arg17 : memref<!tpu.dma_semaphore, #tpu.memory_space<semaphore_mem>>) src(%arg11 : memref<512xf32, #tpu.memory_space<vmem>>) dst(%dma_wait3A_122 : memref<512xf32, #tpu.memory_space<hbm>>)
    return
  }
}

</mosaic_0001>

<sc_bundles>
// kernel: kernel.3.cloned.1.call-start
scs
__scs_entry_jumppad:
0x0: {  	(pc) =	sbr.rel $0x88, $3  }
0x1: {  	(tag) =	ssettag $0x0;
	lr =	simm.s32 $0x1  }
0x2: {  	[smem:$0x3F9D] =	sst lr;
	_ =	strace $0xD0000000  }
0x3: {  	_ = 	snop  }
0x4: {  	_ = 	snop  }
0x5: {  	_ = 	snop  }
0x6: {  	_ = 	snop  }
0x7: {  	_ = 	snop  }
__scs_overlays_trampoline_lowered:
0x8: {  	[smem:$0x3FAC] =	sst s0  }
0x9: {  	[smem:$0x3FAD] =	sst s1  }
0xa: {  	[smem:$0x3FAE] =	sst s2  }
0xb: {  	[smem:$0x3FAF] =	sst s3  }
0xc: {  	[smem:$0x3FB0] =	sst s4  }
0xd: {  	[smem:$0x3FB1] =	sst s5  }
0xe: {  	[smem:$0x3FB2] =	sst s6  }
0xf: {  	[smem:$0x3FB3] =	sst s7  }
0x10: {  	[smem:$0x3FB4] =	sst s8  }
0x11: {  	[smem:$0x3FB5] =	sst s9;
	s0 =	simm.s32 @!p0 $0x0  }
0x12: {  	s1 =	sld [smem:$0x3F9B];
	s0 =	simm.s32 @p0 $0x1  }
0x13: {  	[smem:$0x3FB6] =	sst s0;
	s0 =	simm.s32 @!p1 $0x0  }
0x14: {  	s2 =	sld [smem:$0x3F9A];
	s0 =	simm.s32 @p1 $0x1  }
0x15: {  	[smem:$0x3FB7] =	sst s0;
	s0 =	simm.s32 @!p2 $0x0  }
0x16: {  	s3 =	sld [smem:$0x3FDB];
	s0 =	simm.s32 @p2 $0x1  }
0x17: {  	s4 =	simm.s32 $0x1BF5;
	[smem:$0x3FB9] =	sst s0  }
0x18: {  	s0 =	sld [smem:$0x3F9C];
	_ =	swait.ge [sflag:s4], $0x0  }
0x19: {  	s7 =	sld [smem:$0x3F9D]  }
0x1a: {  	s8 =	sadd.s32 $0xFFFFE003, lr  }
0x1b: {  	s9 =	sadd.s32 $0xFFFFFEF7, lr;
	s5 =	simm.s32 $0xFFFFFFFF;
	p2 =	slt.u32 s8, $0xFFFFF086  }
0x1c: {  	p1 =	slt.u32 s9, $0xF7A;
	s5 =	simm.s32 @!p2 $0x0  }
0x1d: {  	s5 =	simm.s32 @p1 $0x1;
	p0 =	seq.s32 s7, s2  }
0x1e: {  	s7 =	smul.u32 @!p0 $0xF7A, s2;
	p2 =	seq.s32 @!p0 s5, $0x0  }
0x1f: {  	s9 =	smul.u32 $0xF7A, s1;
	s8 =	simm.s32 @!p0 $0x1BF5;
	p2 =	por !p2, p0  }
0x20: {  	[sflag:s8] =	ssyncset.s32 @!p0 $0xFFFFF086;
	s6 =	sadd.s32 @!p0 s3, s7;
	s7 =	simm.s32 @!p0 $0x108  }
0x21: {  	s3 =	sadd.s32 s3, s9;
	s6 =	sadd.s32 @!p0 $0x88, s6;
	s7 =	simm.s32 @p2 $0x1082  }
0x22: {  	[simem:s7], [sflag:s8] =	dma.local @!p0 [hbm:s6], $0xF7A  }
0x23: {  	s9 =	sor.u32 $0xD0000000, s2;
	s6 =	simm.s32 $0x108;
	_ =	swait.ge @!p0 [sflag:s8], $0x0  }
0x24: {  	s3 =	sadd.s32 $0x88, s3;
	s6 =	simm.s32 @!p1 $0x1082;
	[sflag:s4] =	ssyncset.s32 $0xFFFFF086  }
0x25: {  	[simem:s6], [sflag:s4] =	dma.local [hbm:s3], $0xF7A  }
0x26: {  	[smem:$0x3F9D] =	sst s1;
	(tag) =	ssettag s2;
	_ =	strace s9  }
0x27: {  	s1 =	sld [smem:$0x3FAD]  }
0x28: {  	s2 =	sld [smem:$0x3FAE]  }
0x29: {  	s4 =	sld [smem:$0x3FB0]  }
0x2a: {  	p0 =	seq.s32 s5, $0x0;
	s5 =	sld [smem:$0x3FB1]  }
0x2b: {  	s6 =	sld [smem:$0x3FB2]  }
0x2c: {  	s7 =	sld [smem:$0x3FB3]  }
0x2d: {  	s3 =	simm.s32 $0x108;
	s8 =	sld [smem:$0x3FB4]  }
0x2e: {  	s3 =	simm.s32 @!p0 $0x1082;
	s9 =	sld [smem:$0x3FB5]  }
0x2f: {  	lr =	sadd.s32 s0, s3;
	s0 =	sld [smem:$0x3FAC]  }
0x30: {  	s3 =	sld [smem:$0x3FAF]  }
0x31: {  	[smem:$0x3FB8] =	sst s10  }
0x32: {  	s10 =	sld [smem:$0x3FB6];
	_ =	sdelay $0x3  }
0x33: {  	p0 =	seq.s32 s10, $0x1;
	s10 =	sld [smem:$0x3FB8];
	_ =	sdelay $0x3  }
0x34: {  	[smem:$0x3FB8] =	sst s10  }
0x35: {  	s10 =	sld [smem:$0x3FB7];
	_ =	sdelay $0x3  }
0x36: {  	p1 =	seq.s32 s10, $0x1;
	s10 =	sld [smem:$0x3FB8];
	_ =	sdelay $0x3  }
0x37: {  	[smem:$0x3FB8] =	sst s10  }
0x38: {  	s10 =	sld [smem:$0x3FB9]  }
0x39: {  	_ = 	snop;
	(pc) =	sbr.ind lr, $3  }
0x3a: {  	_ = 	snop  }
0x3b: {  	_ = 	snop  }
0x3c: {  	p2 =	seq.s32 s10, $0x1;
	s10 =	sld [smem:$0x3FB8]  }
0x3d: {  	_ =	shalt  }
0x3e: {  	_ =	shalt  }
0x3f: {  	_ =	shalt  }
0x40: {  	_ =	shalt  }
0x41: {  	_ =	shalt  }
0x42: {  	_ =	shalt  }
0x43: {  	_ =	shalt  }
0x44: {  	_ =	shalt  }
0x45: {  	_ =	shalt  }
0x46: {  	_ =	shalt  }
0x47: {  	_ =	shalt  }
0x48: {  	_ =	shalt  }
0x49: {  	_ =	shalt  }
0x4a: {  	_ =	shalt  }
0x4b: {  	_ =	shalt  }
0x4c: {  	_ =	shalt  }
0x4d: {  	_ =	shalt  }
0x4e: {  	_ =	shalt  }
0x4f: {  	_ =	shalt  }
0x50: {  	_ =	shalt  }
0x51: {  	_ =	shalt  }
0x52: {  	_ =	shalt  }
0x53: {  	_ =	shalt  }
0x54: {  	_ =	shalt  }
0x55: {  	_ =	shalt  }
0x56: {  	_ =	shalt  }
0x57: {  	_ =	shalt  }
0x58: {  	_ =	shalt  }
0x59: {  	_ =	shalt  }
0x5a: {  	_ =	shalt  }
0x5b: {  	_ =	shalt  }
0x5c: {  	_ =	shalt  }
0x5d: {  	_ =	shalt  }
0x5e: {  	_ =	shalt  }
0x5f: {  	_ =	shalt  }
0x60: {  	_ =	shalt  }
0x61: {  	_ =	shalt  }
0x62: {  	_ =	shalt  }
0x63: {  	_ =	shalt  }
0x64: {  	_ =	shalt  }
0x65: {  	_ =	shalt  }
0x66: {  	_ =	shalt  }
0x67: {  	_ =	shalt  }
0x68: {  	_ =	shalt  }
0x69: {  	_ =	shalt  }
0x6a: {  	_ =	shalt  }
0x6b: {  	_ =	shalt  }
0x6c: {  	_ =	shalt  }
0x6d: {  	_ =	shalt  }
0x6e: {  	_ =	shalt  }
0x6f: {  	_ =	shalt  }
0x70: {  	_ =	shalt  }
0x71: {  	_ =	shalt  }
0x72: {  	_ =	shalt  }
0x73: {  	_ =	shalt  }
0x74: {  	_ =	shalt  }
0x75: {  	_ =	shalt  }
0x76: {  	_ =	shalt  }
0x77: {  	_ =	shalt  }
0x78: {  	_ =	shalt  }
0x79: {  	_ =	shalt  }
0x7a: {  	_ =	shalt  }
0x7b: {  	_ =	shalt  }
0x7c: {  	_ =	shalt  }
0x7d: {  	_ =	shalt  }
0x7e: {  	_ =	shalt  }
0x7f: {  	_ =	shalt  }
0x80: {  	_ =	shalt  }
0x81: {  	_ =	shalt  }
0x82: {  	_ =	shalt  }
0x83: {  	_ =	shalt  }
0x84: {  	_ =	shalt  }
0x85: {  	_ =	shalt  }
0x86: {  	_ =	shalt  }
0x87: {  	_ =	shalt  }
.Lfunc_end0:
.L_simem_size_0:
called_computation_lowered:
.L_overlay_start_0:
0x88: {  	s2 =	sld [smem:$0x3FD9]  }
0x89: {  	s3 =	sld [smem:$0x3FFE];
	_ =	sdelay $0x1  }
0x8a: {  	s1 =	srdreg.scid  }
0x8b: {  	s0 =	sand.u32 $0x1, s1  }
0x8c: {  	s15 =	sshll.u32 s0, $0xA;
	s2 =	sadd.s32 s3, s2  }
0x8d: {  	s2 =	sadd.s32 s2, s15  }
0x8e: {  	[smem:$0x3FC4] =	sst s2  }
0x8f: {  	_ = 	snop  }
0x90: {  	s2 =	sld [smem:$0x3FC9]  }
0x91: {  	s16 =	sld [smem:$0x3FD0]  }
0x92: {  	s4 =	sld [smem:$0x3FC8]  }
0x93: {  	s5 =	sld [smem:$0x3FC7]  }
0x94: {  	s7 =	simm.s32 $0xA;
	s8 =	simm.s32 $0x10;
	s6 =	sld [smem:$0x3FC6]  }
0x95: {  	[smem:s8], [sflag:s7] =	dma.local [hbm:s16], $0x1  }
0x96: {  	_ =	swait.eq [sflag:s7], $0x1  }
0x97: {  	[sflag:s7] =	ssyncset.done $0x0  }
0x98: {  	s17 =	sld [smem:$0x10];
	[sflag:s7] =	ssyncadd.s32 $0xFFFFFFFF  }
0x99: {  	s18 =	sld [smem:$0x11];
	(tm) =	ssettm $0x1  }
0x9a: {  	s19 =	sld [smem:$0x3FFB];
	_ =	sdelay $0x3  }
0x9b: {  	_ =	strace s19  }
0x9c: {  	s8 =	sld [smem:$0x3FFC];
	_ =	sdelay $0x3  }
0x9d: {  	_ =	strace s8  }
0x9e: {  	s8 =	sld [smem:$0x3FFD];
	_ =	sdelay $0x3  }
0x9f: {  	_ =	strace s8  }
0xa0: {  	_ =	strace $0x8FFFFFFF  }
0xa1: {  	s20 =	sld [smem:$0x3FDB];
	_ =	sdelay $0x1  }
0xa2: {  	s9 =	simm.s32 $_scs_section_size  }
0xa3: {  	s10 =	simm.s32 $_size__tile_overlayer_lowered;
	s11 =	simm.s32 $_tile_overlayer_lowered  }
0xa4: {  	s23 =	simm.s32 $0x1BFF;
	s22 =	sshll.u32 s11, $0x1;
	s8 =	sadd.s32 s9, s20  }
0xa5: {  	s12 =	simm.s32 $0x0;
	s21 =	sshll.u32 s10, $0x1;
	s10 =	sadd.s32 s22, s8  }
0xa6: {  	[timem:s12], [sflag:s23] =	dma.local [hbm:s10], s21  }
0xa7: {  	_ =	swait.ge [sflag:s23], s21  }
0xa8: {  	s9 =	ssub.s32 $0x0, s21;
	[sflag:s23] =	ssyncset.done $0x0  }
0xa9: {  	[sflag:s23] =	ssyncadd.s32 s9;
	_ =	sdelay $0x1  }
0xaa: {  	s24 =	simm.s32 $0x1B8B  }
0xab: {  	_ =	swait.ge [sflag:s24], $0x1  }
0xac: {  	[sflag:s24] =	ssyncset.done $0x0  }
0xad: {  	s25 =	simm.s32 $0x1B8E;
	[sflag:s24] =	ssyncadd.s32 $0xFFFFFFFF  }
0xae: {  	s26 =	simm.s32 $execute0_lowered;
	[smem:$0x3FD2] =	sst s25  }
0xaf: {  	s9 =	sshll.u32 s26, $0x1;
	_ =	strace $0x80000046;
	[dreg:$0x1] =	wrdreg $0xFFFFFFFF  }
0xb0: {  	s28 =	simm.s32 $_size_execute0_lowered;
	s8 =	sadd.s32 s8, s9;
	[dreg:$0x0] =	wrdreg $0x0  }
0xb1: {  	s9 =	sshll.u32 s28, $0x1;
	[dreg:$0x2] =	wrdreg s8  }
0xb2: {  	[dreg:$0x3] =	wrdreg s9  }
0xb3: {  	[dreg:$0x4] =	wrdreg $0xC0  }
0xb4: {  	_ =	task [dreg:s12], $0x5FFFF  }
0xb5: {  	[dreg:$0x1] =	wrdreg $0xFFFFFFFF  }
0xb6: {  	[dreg:$0x0] =	wrdreg $0x60  }
0xb7: {  	[dreg:$0x2] =	wrdreg s2  }
0xb8: {  	[dreg:$0x3] =	wrdreg s4  }
0xb9: {  	[dreg:$0x4] =	wrdreg s5  }
0xba: {  	[dreg:$0x5] =	wrdreg s6  }
0xbb: {  	[dreg:$0x6] =	wrdreg s17  }
0xbc: {  	[dreg:$0x7] =	wrdreg s18  }
0xbd: {  	[dreg:$0x8] =	wrdreg $0x9  }
0xbe: {  	_ =	task.clear_ibuf [dreg:s12], $0x9FFFF;
	_ =	strace $0x90000046  }
0xbf: {  	s29 =	simm.s32 $0x9;
	_ =	strace $0x80000048  }
0xc0: {  	_ =	swait.ge [sflag:s29], $0x1  }
0xc1: {  	[sflag:s29] =	ssyncadd.s32 $0xFFFFFFFF  }
0xc2: {  	_ =	strace $0x90000048  }
0xc3: {  	_ =	sfence  }
0xc4: {  	s30 =	sld [smem:$0x0];
	_ =	sdelay $0x2  }
0xc5: {  	s31 =	sshll.u32 s1, $0xD;
	s1 =	sshrl.u32 s1, $0x2  }
0xc6: {  	s3 =	sand.u32 $0x4000, s31;
	s1 =	sadd.s32 s1, s30  }
0xc7: {  	s0 =	sor.u32 s3, s0;
	s1 =	sshll.u32 s1, $0x11  }
0xc8: {  	s0 =	sor.u32 s1, s0  }
0xc9: {  	s0 =	sadd.s32 $0x8F2B, s0  }
0xca: {  	[sflag:s0] =	ssyncadd.remote.s32 $0x1  }
0xcb: {  	_ =	sfence.sel $0xFFFF  }
0xcc: {  	[dreg:$0x0] =	wrdreg $0xFFFFFFFF;
	(pc) =	sbr.abs _section_cstart, $3  }
0xcd: {  	[dreg:$0x1] =	wrdreg $0xFFFFFFFF  }
0xce: {  	_ =	task.clear_ibuf [dreg:s12], $0x2FFFF;
	_ =	strace $0x9FFFFFFF  }
0xcf: {  	(tm) =	ssettm $0x7FFFFFFF  }
tec
execute0_lowered:
.L_overlay_start_1:
0x0: {  	(tag) =	ssettag $0x1  }
0x1: {  	s5 =	rddreg [dreg:$0x0]  }
0x2: {  	s6 =	rddreg [dreg:$0x1]  }
0x3: {  	s1 =	rddreg [dreg:$0x2]  }
0x4: {  	s2 =	rddreg [dreg:$0x3]  }
0x5: {  	s7 =	rddreg [dreg:$0x4]  }
0x6: {  	s8 =	rddreg [dreg:$0x5]  }
0x7: {  	s0 =	rddreg [dreg:$0x6];
	s9 =	srdreg.scid  }
0x8: {  	s4 =	simm.s32 $0x0;
	s3 =	stileid.u32;
	s13 =	simm.s32 $0x3  }
0x9: {  	s14 =	simm.s32 $0x4;
	s15 =	simm.s32 $0x1;
	s16 =	simm.s32 $0x1200  }
0xa: {  	s17 =	simm.s32 $0x2;
	s18 =	simm.s32 $0x2200;
	s9 =	sand.u32 $0x1, s9  }
0xb: {  	s19 =	simm.s32 $0x0;
	s11 =	sshll.u32 s3, $0xA;
	s10 =	ssub.s32 $0x2, s9  }
0xc: {  	[smem:$0x7FF] =	sst s4;
	s9 =	sshll.u32 s9, $0x9;
	s12 =	sshrl.u32 s10, $0x1  }
0xd: {  	_ =	strace $0x80000047;
	s9 =	sor.u32 s9, s11;
	s10 =	ssub.s32 s10, s12  }
0xe: {  	s11 =	sshrl.u32 s9, $0x3;
	s5 =	sadd.s32 s5, s9;
	s7 =	sadd.s32 s7, s9  }
0xf: {  	s12 =	simm.s32 $0x2480;
	s6 =	sadd.s32 s6, s11;
	s8 =	sadd.s32 s8, s11  }
0x10: {  	vm0 =	vmmov $0x1;
	vm1 =	vmmov $0x3ff;
	s9 =	smax.u32 s10, $0x1;
	s10 =	simm.s32 $0x1000;
	s11 =	simm.s32 $0x2400  }
.LBB2_1:
0x11: {  	[tilespmem:s4], [sflag:$0x1] =	stream.linear.gather [hbm4b:s5+s4], $0x1000, $0x38;
	[tilespmem:$0x2500] =	vst v63  }
0x12: {  	_ = 	snop  }
0x13: {  	[tilespmem:s10], [sflag:$0x2] =	stream.linear.gather [hbm4b:s6+s4], $0x200, $0x38;
	[tilespmem:$0x2500] =	vst v63  }
0x14: {  	_ = 	snop  }
0x15: {  	[tilespmem:s11], [sflag:$0x3] =	stream.linear.gather [hbm4b:s1+s4], $0x31, $0x38;
	[tilespmem:$0x2500] =	vst v63  }
0x16: {  	_ = 	snop  }
0x17: {  	[tilespmem:s12], [sflag:$0x4] =	stream.linear.gather [hbm4b:s2+s4], $0xA, $0x38;
	[tilespmem:$0x2500] =	vst v63  }
0x18: {  	_ =	swait.ge [sflag:s13], $0x31  }
0x19: {  	[sflag:s13] =	ssyncset.done $0x0  }
0x1a: {  	[sflag:s13] =	ssyncadd.s32 $0xFFFFFFCF  }
0x1b: {  	_ =	swait.ge [sflag:s14], $0xA  }
0x1c: {  	[sflag:s14] =	ssyncset.done $0x0  }
0x1d: {  	[sflag:s14] =	ssyncadd.s32 $0xFFFFFFF6  }
0x1e: {  	v0 =	vld [tilespmem:$0x2400]  }
0x1f: {  	v1 =	vld [tilespmem:$0x2410]  }
0x20: {  	v2 =	vld [tilespmem:$0x2420]  }
0x21: {  	v3 =	vld [tilespmem:$0x2430];
	_ =	sdelay $0x3  }
0x22: {  	v4 =	vmax.f32 v0, v1  }
0x23: {  	v3 =	vnsel vm0, $0xF149F2CA, v3;
	v4 =	vmax.f32 v4, v2  }
0x24: {  	v4 =	vmax.f32 v4, v3  }
0x25: {  	(xrf0) =	vmax.scan.msk.f32 $0xffff, v4;
	_ =	sdelay $0x5  }
0x26: {  	v4, _, _ =	vpop (xrf0)  }
0x27: {  	v4 =	vbroadcast v4, $0xF;
	_ =	sdelay $0x1  }
0x28: {  	v0 =	vsub.f32 v0, v4  }
0x29: {  	v1 =	vsub.f32 v1, v4  }
0x2a: {  	v0 =	vmul.f32 $1.442695020e+00, v0  }
0x2b: {  	v2 =	vsub.f32 v2, v4;
	v1 =	vmul.f32 $1.442695020e+00, v1  }
0x2c: {  	(erf) = vpow2.f32 v0  }
0x2d: {  	v47 =	vsub.f32 v3, v4;
	v46 =	vmul.f32 $1.442695020e+00, v2;
	(erf) = vpow2.f32 v1;
	_ =	sdelay $0x1  }
0x2e: {  	v48 =	vmul.f32 $1.442695020e+00, v47;
	(erf) = vpow2.f32 v46;
	_ =	sdelay $0x1  }
0x2f: {  	(erf) = vpow2.f32 v48;
	_ =	sdelay $0x3  }
0x30: {  	v49 =	vpop (erf)  }
0x31: {  	v50 =	vpop (erf)  }
0x32: {  	v51 =	vadd.f32 v50, v49  }
0x33: {  	v53 =	vld [tilespmem:$0x2480];
	v52 =	vpop (erf)  }
0x34: {  	v2 =	vadd.f32 v51, v52  }
0x35: {  	v5 =	vpop (erf)  }
0x36: {  	v2 =	vadd.f32 v2, v5;
	_ =	sdelay $0x1  }
0x37: {  	v54 =	vnsel vm1, $0xF149F2CA, v53;
	(xrf2) =	vadd.scan.msk.f32 $0xffff, v2  }
0x38: {  	(xrf0) =	vmax.scan.msk.f32 $0xffff, v54;
	_ =	sdelay $0x5  }
0x39: {  	v55, _, _ =	vpop (xrf0)  }
0x3a: {  	v4 =	vbroadcast v55, $0xF;
	_ =	sdelay $0x1  }
0x3b: {  	v2 =	vsub.f32 v54, v4;
	v6, _, _ =	vpop (xrf2)  }
0x3c: {  	v56 =	vbroadcast v6, $0xF  }
0x3d: {  	v2 =	vmul.f32 $1.442695020e+00, v2  }
0x3e: {  	(erf) = vrcp.f32 v56  }
0x3f: {  	(erf) = vpow2.f32 v2;
	_ =	sdelay $0x7  }
0x40: {  	v57 =	vpop (erf)  }
0x41: {  	v58 =	vpop (erf)  }
0x42: {  	(xrf2) =	vadd.scan.msk.f32 $0xffff, v58;
	_ =	sdelay $0x9  }
0x43: {  	v59, _, _ =	vpop (xrf2)  }
0x44: {  	v6 =	vbroadcast v59, $0xF;
	_ =	sdelay $0x1  }
0x45: {  	(erf) = vrcp.f32 v6;
	_ =	sdelay $0x5  }
0x46: {  	v0 =	vmul.f32 v57, v49  }
0x47: {  	v1 =	vmul.f32 v57, v50  }
0x48: {  	v60 =	vmul.f32 v57, v52;
	[tilespmem:$0x2400] =	vst v0  }
0x49: {  	v61 =	vmul.f32 v57, v5;
	[tilespmem:$0x2410] =	vst v1;
	v62 =	vpop (erf)  }
0x4a: {  	[tilespmem:$0x2420] =	vst v60;
	v63 =	vmul.f32 v62, v58  }
0x4b: {  	[tilespmem:$0x2430] =	vst v61  }
0x4c: {  	[tilespmem:$0x2480] =	vst v63  }
0x4d: {  	_ =	swait.ge [sflag:s15], $0x1000  }
0x4e: {  	s20 =	simm.s32 $0xFFFFFFFC;
	p0 =	por $0x0, $0x0;
	[sflag:s15] =	ssyncset.done $0x0  }
0x4f: {  	s21 =	simm.s32 $0x0;
	s22 =	simm.s32 $0x0;
	[sflag:s15] =	ssyncadd.s32 $0xFFFFF000  }
.LBB2_2:
0x50: {  	s23 =	sand.u32 $0x40, s21;
	s24 =	sand.u32 $0xC00, s22  }
0x51: {  	s23 =	sor.u32 s23, s24  }
0x52: {  	v0 =	vld [tilespmem:s23+$0x0];
	_ =	sdelay $0x4  }
0x53: {  	v0 =	vadd.s32 $0xFFFFFFFF, v0  }
0x54: {  	v1 =	vld [tilespmem:s23+$0x80];
	_ =	sdelay $0x3  }
0x55: {  	v0 =	vld.idx.msk [tilespmem:v0+s11+$0x0], $0xffff  }
0x56: {  	v1 =	vadd.s32 $0xFFFFFFFF, v1  }
0x57: {  	v2 =	vld [tilespmem:s23+$0x100];
	_ =	sdelay $0x2  }
0x58: {  	[tilespmem:s23+$0x1200] =	vst v0  }
0x59: {  	v0 =	vld.idx.msk [tilespmem:v1+s11+$0x0], $0xffff  }
0x5a: {  	v48 =	vadd.s32 $0xFFFFFFFF, v2;
	_ =	sdelay $0x3  }
0x5b: {  	[tilespmem:s23+$0x1280] =	vst v0  }
0x5c: {  	v0 =	vld.idx.msk [tilespmem:v48+s11+$0x0], $0xffff;
	_ =	sdelay $0x3  }
0x5d: {  	s24 =	sor.u32 s24, s21  }
0x5e: {  	s25 =	sor.u32 $0x180, s24;
	[tilespmem:s23+$0x1300] =	vst v0  }
0x5f: {  	v0 =	vld [tilespmem:s25+$0x0];
	_ =	sdelay $0x4  }
0x60: {  	v0 =	vadd.s32 $0xFFFFFFFF, v0;
	_ =	sdelay $0x4  }
0x61: {  	v0 =	vld.idx.msk [tilespmem:v0+s11+$0x0], $0xffff  }
0x62: {  	s24 =	simm.s32 $0x1  }
0x63: {  	s24 =	simm.s32 @!p0 $0x0  }
0x64: {  	s24 =	sshll.u32 s24, $0x6  }
0x65: {  	s24 =	sadd.s32 s24, s22  }
0x66: {  	s28 =	sor.u32 $0x200, s24;
	[tilespmem:s25+$0x1200] =	vst v0  }
0x67: {  	v0 =	vld [tilespmem:s28+$0x0];
	_ =	sdelay $0x4  }
0x68: {  	v0 =	vadd.s32 $0xFFFFFFFF, v0;
	_ =	sdelay $0x4  }
0x69: {  	v0 =	vld.idx.msk [tilespmem:v0+s11+$0x0], $0xffff;
	_ =	sdelay $0x4  }
0x6a: {  	[tilespmem:s28+$0x1200] =	vst v0  }
0x6b: {  	v0 =	vld [tilespmem:s23+$0x10];
	_ =	sdelay $0x4  }
0x6c: {  	v0 =	vadd.s32 $0xFFFFFFFF, v0  }
0x6d: {  	v49 =	vld [tilespmem:s23+$0x90];
	_ =	sdelay $0x3  }
0x6e: {  	v0 =	vld.idx.msk [tilespmem:v0+s11+$0x0], $0xffff  }
0x6f: {  	v1 =	vadd.s32 $0xFFFFFFFF, v49  }
0x70: {  	v50 =	vld [tilespmem:s23+$0x110];
	_ =	sdelay $0x2  }
0x71: {  	[tilespmem:s23+$0x1210] =	vst v0  }
0x72: {  	v0 =	vld.idx.msk [tilespmem:v1+s11+$0x0], $0xffff  }
0x73: {  	v51 =	vadd.s32 $0xFFFFFFFF, v50  }
0x74: {  	v52 =	vld [tilespmem:s23+$0x190];
	_ =	sdelay $0x2  }
0x75: {  	[tilespmem:s23+$0x1290] =	vst v0  }
0x76: {  	v0 =	vld.idx.msk [tilespmem:v51+s11+$0x0], $0xffff  }
0x77: {  	v53 =	vadd.s32 $0xFFFFFFFF, v52;
	_ =	sdelay $0x3  }
0x78: {  	[tilespmem:s23+$0x1310] =	vst v0  }
0x79: {  	v0 =	vld.idx.msk [tilespmem:v53+s11+$0x0], $0xffff;
	_ =	sdelay $0x3  }
0x7a: {  	s29 =	sadd.s32 $0x10, s24  }
0x7b: {  	s25 =	sor.u32 $0x200, s29;
	[tilespmem:s23+$0x1390] =	vst v0  }
0x7c: {  	v0 =	vld [tilespmem:s25+$0x0];
	_ =	sdelay $0x4  }
0x7d: {  	v0 =	vadd.s32 $0xFFFFFFFF, v0;
	_ =	sdelay $0x4  }
0x7e: {  	v0 =	vld.idx.msk [tilespmem:v0+s11+$0x0], $0xffff;
	_ =	sdelay $0x4  }
0x7f: {  	[tilespmem:s25+$0x1200] =	vst v0  }
0x80: {  	v0 =	vld [tilespmem:s23+$0x20];
	_ =	sdelay $0x4  }
0x81: {  	v0 =	vadd.s32 $0xFFFFFFFF, v0  }
0x82: {  	v54 =	vld [tilespmem:s23+$0xA0];
	_ =	sdelay $0x3  }
0x83: {  	v0 =	vld.idx.msk [tilespmem:v0+s11+$0x0], $0xffff  }
0x84: {  	v1 =	vadd.s32 $0xFFFFFFFF, v54  }
0x85: {  	v55 =	vld [tilespmem:s23+$0x120];
	_ =	sdelay $0x2  }
0x86: {  	[tilespmem:s23+$0x1220] =	vst v0  }
0x87: {  	v0 =	vld.idx.msk [tilespmem:v1+s11+$0x0], $0xffff  }
0x88: {  	v56 =	vadd.s32 $0xFFFFFFFF, v55  }
0x89: {  	v57 =	vld [tilespmem:s23+$0x1A0];
	_ =	sdelay $0x2  }
0x8a: {  	[tilespmem:s23+$0x12A0] =	vst v0  }
0x8b: {  	v0 =	vld.idx.msk [tilespmem:v56+s11+$0x0], $0xffff  }
0x8c: {  	v58 =	vadd.s32 $0xFFFFFFFF, v57;
	_ =	sdelay $0x3  }
0x8d: {  	[tilespmem:s23+$0x1320] =	vst v0  }
0x8e: {  	v0 =	vld.idx.msk [tilespmem:v58+s11+$0x0], $0xffff;
	_ =	sdelay $0x3  }
0x8f: {  	s30 =	sadd.s32 $0x20, s24  }
0x90: {  	s25 =	sor.u32 $0x200, s30;
	[tilespmem:s23+$0x13A0] =	vst v0  }
0x91: {  	v0 =	vld [tilespmem:s25+$0x0];
	_ =	sdelay $0x4  }
0x92: {  	v0 =	vadd.s32 $0xFFFFFFFF, v0;
	_ =	sdelay $0x4  }
0x93: {  	v0 =	vld.idx.msk [tilespmem:v0+s11+$0x0], $0xffff;
	_ =	sdelay $0x4  }
0x94: {  	[tilespmem:s25+$0x1200] =	vst v0  }
0x95: {  	v0 =	vld [tilespmem:s23+$0x30];
	_ =	sdelay $0x4  }
0x96: {  	v0 =	vadd.s32 $0xFFFFFFFF, v0  }
0x97: {  	v59 =	vld [tilespmem:s23+$0xB0];
	_ =	sdelay $0x3  }
0x98: {  	v0 =	vld.idx.msk [tilespmem:v0+s11+$0x0], $0xffff  }
0x99: {  	v1 =	vadd.s32 $0xFFFFFFFF, v59  }
0x9a: {  	v60 =	vld [tilespmem:s23+$0x130];
	_ =	sdelay $0x2  }
0x9b: {  	[tilespmem:s23+$0x1230] =	vst v0  }
0x9c: {  	v0 =	vld.idx.msk [tilespmem:v1+s11+$0x0], $0xffff  }
0x9d: {  	v61 =	vadd.s32 $0xFFFFFFFF, v60  }
0x9e: {  	v62 =	vld [tilespmem:s23+$0x1B0];
	_ =	sdelay $0x2  }
0x9f: {  	[tilespmem:s23+$0x12B0] =	vst v0  }
0xa0: {  	v0 =	vld.idx.msk [tilespmem:v61+s11+$0x0], $0xffff  }
0xa1: {  	v63 =	vadd.s32 $0xFFFFFFFF, v62;
	_ =	sdelay $0x3  }
0xa2: {  	[tilespmem:s23+$0x1330] =	vst v0  }
0xa3: {  	v0 =	vld.idx.msk [tilespmem:v63+s11+$0x0], $0xffff;
	_ =	sdelay $0x3  }
0xa4: {  	s24 =	sadd.s32 $0x30, s24  }
0xa5: {  	s31 =	sor.u32 $0x200, s24;
	[tilespmem:s23+$0x13B0] =	vst v0  }
0xa6: {  	v0 =	vld [tilespmem:s31+$0x0];
	_ =	sdelay $0x4  }
0xa7: {  	v0 =	vadd.s32 $0xFFFFFFFF, v0;
	_ =	sdelay $0x3  }
0xa8: {  	s20 =	sadd.s32 $0x4, s20  }
0xa9: {  	p1 =	slt.u32 s20, $0x1C;
	v0 =	vld.idx.msk [tilespmem:v0+s11+$0x0], $0xffff  }
.Ltmp0:
0xaa: {  	_ = 	snop;
	(pc) =	sbr.rel @p1 .LBB2_2-.Ltmp0, $2  }
0xab: {  	_ =	sdelay $0x2  }
0xac: {  	s21 =	sadd.s32 $0x40, s21;
	p0 =	por !p0, !p0;
	s22 =	sadd.s32 $0x200, s22;
	[tilespmem:s31+$0x1200] =	vst v0  }
0xad: {  	[hbm4b:s7+s4] =	stream.linear.scatter [tilespmem:s16], [sflag:$0x3], $0x1000, $0x38;
	[tilespmem:$0x2500] =	vst v63  }
0xae: {  	_ =	swait.ge [sflag:s17], $0x200  }
0xaf: {  	[sflag:s17] =	ssyncset.done $0x0  }
0xb0: {  	[sflag:s17] =	ssyncadd.s32 $0xFFFFFE00  }
0xb1: {  	v0 =	vld [tilespmem:$0x1000];
	_ =	sdelay $0x4  }
0xb2: {  	v0 =	vadd.s32 $0xFFFFFFFF, v0  }
0xb3: {  	v1 =	vld [tilespmem:$0x1010];
	_ =	sdelay $0x3  }
0xb4: {  	v0 =	vld.idx.msk [tilespmem:v0+s12+$0x0], $0xffff  }
0xb5: {  	v1 =	vadd.s32 $0xFFFFFFFF, v1  }
0xb6: {  	v2 =	vld [tilespmem:$0x1020];
	_ =	sdelay $0x2  }
0xb7: {  	[tilespmem:$0x2200] =	vst v0  }
0xb8: {  	v0 =	vld.idx.msk [tilespmem:v1+s12+$0x0], $0xffff  }
0xb9: {  	v5 =	vadd.s32 $0xFFFFFFFF, v2  }
0xba: {  	v6 =	vld [tilespmem:$0x1030];
	_ =	sdelay $0x2  }
0xbb: {  	[tilespmem:$0x2210] =	vst v0  }
0xbc: {  	v0 =	vld.idx.msk [tilespmem:v5+s12+$0x0], $0xffff  }
0xbd: {  	v7 =	vadd.s32 $0xFFFFFFFF, v6  }
0xbe: {  	v8 =	vld [tilespmem:$0x1040];
	_ =	sdelay $0x2  }
0xbf: {  	[tilespmem:$0x2220] =	vst v0  }
0xc0: {  	v0 =	vld.idx.msk [tilespmem:v7+s12+$0x0], $0xffff  }
0xc1: {  	v9 =	vadd.s32 $0xFFFFFFFF, v8  }
0xc2: {  	v10 =	vld [tilespmem:$0x1050];
	_ =	sdelay $0x2  }
0xc3: {  	[tilespmem:$0x2230] =	vst v0  }
0xc4: {  	v0 =	vld.idx.msk [tilespmem:v9+s12+$0x0], $0xffff  }
0xc5: {  	v11 =	vadd.s32 $0xFFFFFFFF, v10  }
0xc6: {  	v12 =	vld [tilespmem:$0x1060];
	_ =	sdelay $0x2  }
0xc7: {  	[tilespmem:$0x2240] =	vst v0  }
0xc8: {  	v0 =	vld.idx.msk [tilespmem:v11+s12+$0x0], $0xffff  }
0xc9: {  	v13 =	vadd.s32 $0xFFFFFFFF, v12  }
0xca: {  	v14 =	vld [tilespmem:$0x1070];
	_ =	sdelay $0x2  }
0xcb: {  	[tilespmem:$0x2250] =	vst v0  }
0xcc: {  	v0 =	vld.idx.msk [tilespmem:v13+s12+$0x0], $0xffff  }
0xcd: {  	v15 =	vadd.s32 $0xFFFFFFFF, v14  }
0xce: {  	v16 =	vld [tilespmem:$0x1080];
	_ =	sdelay $0x2  }
0xcf: {  	[tilespmem:$0x2260] =	vst v0  }
0xd0: {  	v0 =	vld.idx.msk [tilespmem:v15+s12+$0x0], $0xffff  }
0xd1: {  	v17 =	vadd.s32 $0xFFFFFFFF, v16  }
0xd2: {  	v18 =	vld [tilespmem:$0x1090];
	_ =	sdelay $0x2  }
0xd3: {  	[tilespmem:$0x2270] =	vst v0  }
0xd4: {  	v0 =	vld.idx.msk [tilespmem:v17+s12+$0x0], $0xffff  }
0xd5: {  	v19 =	vadd.s32 $0xFFFFFFFF, v18  }
0xd6: {  	v20 =	vld [tilespmem:$0x10A0];
	_ =	sdelay $0x2  }
0xd7: {  	[tilespmem:$0x2280] =	vst v0  }
0xd8: {  	v0 =	vld.idx.msk [tilespmem:v19+s12+$0x0], $0xffff  }
0xd9: {  	v21 =	vadd.s32 $0xFFFFFFFF, v20  }
0xda: {  	v22 =	vld [tilespmem:$0x10B0];
	_ =	sdelay $0x2  }
0xdb: {  	[tilespmem:$0x2290] =	vst v0  }
0xdc: {  	v0 =	vld.idx.msk [tilespmem:v21+s12+$0x0], $0xffff  }
0xdd: {  	v23 =	vadd.s32 $0xFFFFFFFF, v22  }
0xde: {  	v24 =	vld [tilespmem:$0x10C0];
	_ =	sdelay $0x2  }
0xdf: {  	[tilespmem:$0x22A0] =	vst v0  }
0xe0: {  	v0 =	vld.idx.msk [tilespmem:v23+s12+$0x0], $0xffff  }
0xe1: {  	v25 =	vadd.s32 $0xFFFFFFFF, v24  }
0xe2: {  	v26 =	vld [tilespmem:$0x10D0];
	_ =	sdelay $0x2  }
0xe3: {  	[tilespmem:$0x22B0] =	vst v0  }
0xe4: {  	v0 =	vld.idx.msk [tilespmem:v25+s12+$0x0], $0xffff  }
0xe5: {  	v27 =	vadd.s32 $0xFFFFFFFF, v26  }
0xe6: {  	v28 =	vld [tilespmem:$0x10E0];
	_ =	sdelay $0x2  }
0xe7: {  	[tilespmem:$0x22C0] =	vst v0  }
0xe8: {  	v0 =	vld.idx.msk [tilespmem:v27+s12+$0x0], $0xffff  }
0xe9: {  	v29 =	vadd.s32 $0xFFFFFFFF, v28  }
0xea: {  	v30 =	vld [tilespmem:$0x10F0];
	_ =	sdelay $0x2  }
0xeb: {  	[tilespmem:$0x22D0] =	vst v0  }
0xec: {  	v0 =	vld.idx.msk [tilespmem:v29+s12+$0x0], $0xffff  }
0xed: {  	v31 =	vadd.s32 $0xFFFFFFFF, v30  }
0xee: {  	v32 =	vld [tilespmem:$0x1100];
	_ =	sdelay $0x2  }
0xef: {  	[tilespmem:$0x22E0] =	vst v0  }
0xf0: {  	v0 =	vld.idx.msk [tilespmem:v31+s12+$0x0], $0xffff  }
0xf1: {  	v33 =	vadd.s32 $0xFFFFFFFF, v32  }
0xf2: {  	v34 =	vld [tilespmem:$0x1110];
	_ =	sdelay $0x2  }
0xf3: {  	[tilespmem:$0x22F0] =	vst v0  }
0xf4: {  	v0 =	vld.idx.msk [tilespmem:v33+s12+$0x0], $0xffff  }
0xf5: {  	v35 =	vadd.s32 $0xFFFFFFFF, v34  }
0xf6: {  	v36 =	vld [tilespmem:$0x1120];
	_ =	sdelay $0x2  }
0xf7: {  	[tilespmem:$0x2300] =	vst v0  }
0xf8: {  	v0 =	vld.idx.msk [tilespmem:v35+s12+$0x0], $0xffff  }
0xf9: {  	v37 =	vadd.s32 $0xFFFFFFFF, v36  }
0xfa: {  	v38 =	vld [tilespmem:$0x1130];
	_ =	sdelay $0x2  }
0xfb: {  	[tilespmem:$0x2310] =	vst v0  }
0xfc: {  	v0 =	vld.idx.msk [tilespmem:v37+s12+$0x0], $0xffff  }
0xfd: {  	v39 =	vadd.s32 $0xFFFFFFFF, v38  }
0xfe: {  	v40 =	vld [tilespmem:$0x1140];
	_ =	sdelay $0x2  }
0xff: {  	[tilespmem:$0x2320] =	vst v0  }
0x100: {  	v0 =	vld.idx.msk [tilespmem:v39+s12+$0x0], $0xffff  }
0x101: {  	v41 =	vadd.s32 $0xFFFFFFFF, v40  }
0x102: {  	v42 =	vld [tilespmem:$0x1150];
	_ =	sdelay $0x2  }
0x103: {  	[tilespmem:$0x2330] =	vst v0  }
0x104: {  	v0 =	vld.idx.msk [tilespmem:v41+s12+$0x0], $0xffff  }
0x105: {  	v43 =	vadd.s32 $0xFFFFFFFF, v42  }
0x106: {  	v44 =	vld [tilespmem:$0x1160];
	_ =	sdelay $0x2  }
0x107: {  	[tilespmem:$0x2340] =	vst v0  }
0x108: {  	v0 =	vld.idx.msk [tilespmem:v43+s12+$0x0], $0xffff  }
0x109: {  	v45 =	vadd.s32 $0xFFFFFFFF, v44  }
0x10a: {  	v46 =	vld [tilespmem:$0x1170];
	_ =	sdelay $0x2  }
0x10b: {  	[tilespmem:$0x2350] =	vst v0  }
0x10c: {  	v0 =	vld.idx.msk [tilespmem:v45+s12+$0x0], $0xffff  }
0x10d: {  	v47 =	vadd.s32 $0xFFFFFFFF, v46  }
0x10e: {  	v48 =	vld [tilespmem:$0x1180];
	_ =	sdelay $0x2  }
0x10f: {  	[tilespmem:$0x2360] =	vst v0  }
0x110: {  	v0 =	vld.idx.msk [tilespmem:v47+s12+$0x0], $0xffff  }
0x111: {  	v49 =	vadd.s32 $0xFFFFFFFF, v48  }
0x112: {  	v50 =	vld [tilespmem:$0x1190];
	_ =	sdelay $0x2  }
0x113: {  	[tilespmem:$0x2370] =	vst v0  }
0x114: {  	v0 =	vld.idx.msk [tilespmem:v49+s12+$0x0], $0xffff  }
0x115: {  	v51 =	vadd.s32 $0xFFFFFFFF, v50  }
0x116: {  	v52 =	vld [tilespmem:$0x11A0];
	_ =	sdelay $0x2  }
0x117: {  	[tilespmem:$0x2380] =	vst v0  }
0x118: {  	v0 =	vld.idx.msk [tilespmem:v51+s12+$0x0], $0xffff  }
0x119: {  	v53 =	vadd.s32 $0xFFFFFFFF, v52  }
0x11a: {  	v54 =	vld [tilespmem:$0x11B0];
	_ =	sdelay $0x2  }
0x11b: {  	[tilespmem:$0x2390] =	vst v0  }
0x11c: {  	v0 =	vld.idx.msk [tilespmem:v53+s12+$0x0], $0xffff  }
0x11d: {  	v55 =	vadd.s32 $0xFFFFFFFF, v54  }
0x11e: {  	v56 =	vld [tilespmem:$0x11C0];
	_ =	sdelay $0x2  }
0x11f: {  	[tilespmem:$0x23A0] =	vst v0  }
0x120: {  	v0 =	vld.idx.msk [tilespmem:v55+s12+$0x0], $0xffff  }
0x121: {  	v57 =	vadd.s32 $0xFFFFFFFF, v56  }
0x122: {  	v58 =	vld [tilespmem:$0x11D0];
	_ =	sdelay $0x2  }
0x123: {  	[tilespmem:$0x23B0] =	vst v0  }
0x124: {  	v0 =	vld.idx.msk [tilespmem:v57+s12+$0x0], $0xffff  }
0x125: {  	v59 =	vadd.s32 $0xFFFFFFFF, v58  }
0x126: {  	v60 =	vld [tilespmem:$0x11E0];
	_ =	sdelay $0x2  }
0x127: {  	[tilespmem:$0x23C0] =	vst v0  }
0x128: {  	v0 =	vld.idx.msk [tilespmem:v59+s12+$0x0], $0xffff  }
0x129: {  	v61 =	vadd.s32 $0xFFFFFFFF, v60  }
0x12a: {  	v62 =	vld [tilespmem:$0x11F0];
	_ =	sdelay $0x2  }
0x12b: {  	[tilespmem:$0x23D0] =	vst v0  }
0x12c: {  	v0 =	vld.idx.msk [tilespmem:v61+s12+$0x0], $0xffff  }
0x12d: {  	v63 =	vadd.s32 $0xFFFFFFFF, v62;
	_ =	sdelay $0x3  }
0x12e: {  	[tilespmem:$0x23E0] =	vst v0  }
0x12f: {  	v0 =	vld.idx.msk [tilespmem:v63+s12+$0x0], $0xffff;
	_ =	sdelay $0x4  }
0x130: {  	s19 =	sadd.s32 $0x1, s19;
	[tilespmem:$0x23F0] =	vst v0  }
0x131: {  	[hbm4b:s8+s4] =	stream.linear.scatter [tilespmem:s18], [sflag:$0x4], $0x200, $0x38;
	[tilespmem:$0x2500] =	vst v63  }
0x132: {  	p0 =	sne.s32 s19, s9;
	_ =	swait.ge [sflag:s13], $0x1000  }
.Ltmp1:
0x133: {  	[sflag:s13] =	ssyncset.done $0x0;
	(pc) =	sbr.rel @p0 .LBB2_1-.Ltmp1, $4  }
0x134: {  	[sflag:s13] =	ssyncadd.s32 $0xFFFFF000  }
0x135: {  	_ =	swait.ge [sflag:s14], $0x200  }
0x136: {  	[sflag:s14] =	ssyncset.done $0x0  }
0x137: {  	[sflag:s14] =	ssyncadd.s32 $0xFFFFFE00  }
0x138: {  	_ =	sfence.sel $0x180000  }
0x139: {  	[bflag:$0x0] =	sbarrier.arrive $0xFFFF  }
0x13a: {  	p0 =	sne.s32 s3, $0x0;
	_ =	strace $0x90000047  }
0x13b: {  	s0 =	sadd.s32 @!p0 $0x100000, s0;
	[bflag:$0x2] =	sbarrier.arrive $0xFFFF  }
0x13c: {  	[sflag:s0] =	ssyncadd.tile.s32 @!p0 $0x1;
	_ =	shalt  }
.Lfunc_end2:
_tile_overlayer_lowered:
.L_overlay_start_2:
0x13d: {  	(tag) =	ssettag $0x2  }
0x13e: {  	s0 =	rddreg [dreg:$0x0];
	s2 =	stileid.u32  }
0x13f: {  	s1 =	rddreg [dreg:$0x1];
	p0 =	sne.s32 s2, $0x0  }
0x140: {  	s3 =	rddreg [dreg:$0x2];
	[bflag:$0x3] =	sbarrier.arrive $0xFFFF;
	s2 =	simm.s32 @!p0 $0x1C05  }
0x141: {  	[timem:s3], [sflag:s2] =	dma.local @!p0 [hbm:s0], s1  }
0x142: {  	s0 =	simm.s32 @!p0 $0x5  }
0x143: {  	_ =	swait.ge @!p0 [sflag:s0], s1  }
0x144: {  	s1 =	ssub.s32 @!p0 $0x0, s1;
	[sflag:s0] =	ssyncset.done @!p0 $0x0  }
0x145: {  	[sflag:s0] =	ssyncadd.s32 @!p0 s1  }
0x146: {  	[bflag:$0x3] =	sbarrier.arrive $0xFFFF  }
0x147: {  	_ =	shalt  }

</sc_bundles>
